<compile_context>
chip_gen: v7x
topology: tpu7x:2x2x1
jax: 0.10.2.dev20260603
libtpu: 0.0.44.dev20260713+nightly
codegen_flags: <defaults>
</compile_context>

<pallas_src>
import functools

import jax
import jax.numpy as jnp
from jax import lax
from jax.experimental import pallas as pl
from jax.experimental.pallas import tpu as pltpu
from jax.experimental.pallas import tpu_sc as plsc

PAD = 1


@functools.partial(jax.jit, static_argnums=(2, 3, 4, 5))
def _sc_embed(tokens_flat, table, B, D, CH, SEQ):
    info = plsc.get_sparse_core_info()
    NC, NS, L = info.num_cores, info.num_subcores, info.num_lanes
    assert CH == L
    seg = SEQ // NS
    nv = seg // L
    n_sc = seg // CH
    assert n_sc % 2 == 0
    mesh = plsc.VectorSubcoreMesh(core_axis_name="c", subcore_axis_name="s")

    _dnums = lax.GatherDimensionNumbers(
        offset_dims=(), collapsed_slice_dims=(0,), start_index_map=(0,))

    def _vgather(x, idx):
        return lax.gather(x, idx[:, None], _dnums, (1,),
                          mode=lax.GatherScatterMode.PROMISE_IN_BOUNDS)

    def _csum16(x):
        lanes_c = lax.iota(jnp.int32, L)
        for sh in (1, 2, 4, 8):
            rolled = _vgather(x, jnp.maximum(lanes_c - sh, 0))
            x = x + jnp.where(lanes_c >= sh, rolled, 0)
        return x

    def _last_splat(x):
        return _vgather(x, jnp.zeros((L,), jnp.int32) + (L - 1))

    @functools.partial(
        pl.kernel,
        mesh=mesh,
        out_type=jax.ShapeDtypeStruct((B, D), jnp.float32),
        scratch_types=[
            pltpu.VMEM((2 * seg,), jnp.int32),
            pltpu.VMEM((2 * seg,), jnp.int32),
            pltpu.VMEM((L,), jnp.int32),
            pltpu.VMEM((2 * NS, L), jnp.int32),
            pltpu.VMEM_SHARED((2 * NS, L), jnp.int32),
            pltpu.SMEM((2 * nv,), jnp.int32),
            pltpu.SMEM((2 * nv,), jnp.int32),
            pltpu.VMEM((CH, D), jnp.float32),
            pltpu.VMEM((CH, D), jnp.float32),
            pltpu.VMEM((CH, D), jnp.float32),
            pltpu.VMEM((CH, D), jnp.float32),
            pltpu.SemaphoreType.DMA,
            pltpu.SemaphoreType.DMA,
            pltpu.SemaphoreType.DMA,
            pltpu.SemaphoreType.DMA,
            pltpu.SemaphoreType.DMA,
            pltpu.SemaphoreType.DMA,
            pltpu.SemaphoreType.DMA,
            pltpu.SemaphoreType.DMA,
        ],
    )
    def k(tok_hbm, table_hbm, out_hbm, tok_v, idx_v, my_cnt_v, cnt_all_v,
          cnt_sh, flags, sts, bA0, bA1, bB0, bB1,
          gA0, gA1, gB0, gB1, wA0, wA1, wB0, wB1):
        c = lax.axis_index("c")
        s = lax.axis_index("s")
        col0 = s * seg
        tb0 = (2 * c) * SEQ + col0
        tb1 = (2 * c + 1) * SEQ + col0

        pltpu.sync_copy(tok_hbm.at[pl.ds(tb0, seg)], tok_v.at[pl.ds(0, seg)])
        pltpu.sync_copy(tok_hbm.at[pl.ds(tb1, seg)], tok_v.at[pl.ds(seg, seg)])

        def cbody(j, acc):
            t = tok_v[pl.ds(j * L, L)]
            return acc + jnp.where(t != PAD, 1, 0).astype(jnp.int32)

        acc0 = lax.fori_loop(0, nv, cbody, jnp.zeros((L,), jnp.int32))
        acc1 = lax.fori_loop(nv, 2 * nv, cbody, jnp.zeros((L,), jnp.int32))

        my_cnt_v[...] = _last_splat(_csum16(acc0))
        pltpu.sync_copy(my_cnt_v, cnt_sh.at[s])
        my_cnt_v[...] = _last_splat(_csum16(acc1))
        pltpu.sync_copy(my_cnt_v, cnt_sh.at[NS + s])
        plsc.subcore_barrier()
        pltpu.sync_copy(cnt_sh, cnt_all_v)
        lanes = lax.iota(jnp.int32, L)
        cvec0 = jnp.zeros((L,), jnp.int32)
        cvec1 = jnp.zeros((L,), jnp.int32)
        for j in range(NS):
            cvec0 = cvec0 + jnp.where(lanes == j, cnt_all_v[j], 0)
            cvec1 = cvec1 + jnp.where(lanes == j, cnt_all_v[NS + j], 0)
        seg_mask = lanes < s
        start0 = _csum16(jnp.where(seg_mask, cvec0, 0))[L - 1]
        start1 = _csum16(jnp.where(seg_mask, cvec1, 0))[L - 1]

        def pbody(j, carry):
            t = tok_v[pl.ds(j * L, L)]
            v = jnp.where(t != PAD, 1, 0).astype(jnp.int32)
            cs = _csum16(v)
            idx_v[pl.ds(j * L, L)] = (cs + carry) * v + PAD
            c_last = cs[L - 1]
            flags[j] = (c_last == L).astype(jnp.int32)
            sts[j] = carry + 1 + PAD
            return carry + c_last

        lax.fori_loop(0, nv, pbody, start0)
        lax.fori_loop(nv, 2 * nv, pbody, start1)

        bufs = ((bA0, bA1), (bB0, bB1))
        gss = ((gA0, gA1), (gB0, gB1))
        wss = ((wA0, wA1), (wB0, wB1))

        def gsrc(j):
            return table_hbm.at[idx_v.at[pl.ds(j * L, L)]]

        def odst(rbase, g):
            return out_hbm.at[pl.ds(rbase + g * CH, CH)]

        def is_shared(g):
            return ((flags[g] == 1) & (flags[nv + g] == 1)
                    & (sts[g] == sts[nv + g]))

        def deferred_row1(g, p):
            @pl.when(is_shared(g))
            def _():
                pltpu.make_async_copy(
                    bufs[p][0], odst(tb0, g), wss[p][0]).wait()
                pltpu.async_copy(bufs[p][0], odst(tb1, g), wss[p][1])

        def drain(g, p):
            sh = is_shared(g)

            @pl.when(sh)
            def _():
                pltpu.make_async_copy(
                    bufs[p][0], odst(tb1, g), wss[p][1]).wait()

            @pl.when(jnp.logical_not(sh))
            def _():
                pltpu.make_async_copy(
                    bufs[p][0], odst(tb0, g), wss[p][0]).wait()
                pltpu.make_async_copy(
                    bufs[p][1], odst(tb1, g), wss[p][1]).wait()

        def body(i, carry):
            for p in range(2):
                g = i * 2 + p
                sh = is_shared(g)

                @pl.when(g >= 2)
                def _():
                    drain(g - 2, p)

                @pl.when(g >= 1)
                def _():
                    deferred_row1(g - 1, 1 - p)

                pltpu.async_copy(gsrc(g), bufs[p][0], gss[p][0])

                @pl.when(jnp.logical_not(sh))
                def _():
                    pltpu.async_copy(gsrc(nv + g), bufs[p][1], gss[p][1])

                pltpu.make_async_copy(gsrc(g), bufs[p][0], gss[p][0]).wait()

                @pl.when(jnp.logical_not(sh))
                def _():
                    pltpu.make_async_copy(
                        gsrc(nv + g), bufs[p][1], gss[p][1]).wait()

                pltpu.async_copy(bufs[p][0], odst(tb0, g), wss[p][0])

                @pl.when(jnp.logical_not(sh))
                def _():
                    pltpu.async_copy(bufs[p][1], odst(tb1, g), wss[p][1])

            return carry

        lax.fori_loop(0, n_sc // 2, body, 0)
        deferred_row1(n_sc - 1, 1)
        drain(n_sc - 2, 0)
        drain(n_sc - 1, 1)

    return k(tokens_flat, table)


def kernel(input, weights):
    bsz, seq_len = input.shape
    tokens = input.astype(jnp.int32)
    D = weights.shape[1]
    B = bsz * seq_len
    out = _sc_embed(tokens.reshape(B), weights, B, D, 16, seq_len)
    return out.reshape(bsz, seq_len, D)

# --- scband reference (transcript-rebuilt; emitter-appended) ---
"""Pipeline reference for scband-sinusoidal-positional-embedding-70446053589013 (READ-ONLY COPY).

The authoritative reference and input builder live on the scoring server;
editing this copy changes nothing except your own understanding.
"""

import math
import jax, jax.numpy as jnp
import numpy as np

EMBEDDING_DIM = 1024
PADDING_IDX = 1
INIT_SIZE = 8194
BATCH = 4
SEQ_LEN = 8192
VOCAB = 32000


def get_embedding(num_embeddings, embedding_dim, padding_idx):
    half_dim = embedding_dim // 2
    emb_scale = math.log(10000) / (half_dim - 1)
    emb = jnp.exp(jnp.arange(half_dim, dtype=jnp.float32) * -emb_scale)
    emb = jnp.arange(num_embeddings, dtype=jnp.float32)[:, None] * emb[None, :]
    emb = jnp.concatenate([jnp.sin(emb), jnp.cos(emb)], axis=1).reshape(num_embeddings, -1)
    if embedding_dim % 2 == 1:
        emb = jnp.concatenate([emb, jnp.zeros((num_embeddings, 1), dtype=jnp.float32)], axis=1)
    if padding_idx is not None:
        emb = emb.at[padding_idx, :].set(0.0)
    return emb


def make_positions(tokens, padding_idx):
    mask = (tokens != padding_idx).astype(jnp.int64)
    return jnp.cumsum(mask, axis=1) * mask + padding_idx


def setup_inputs(seed: int = 0) -> dict:
    key = jax.random.key(seed)
    k_inp = jax.random.fold_in(key, 0)
    inp = jax.random.randint(k_inp, (BATCH, SEQ_LEN), 0, VOCAB, dtype=jnp.int64)
    weights = get_embedding(INIT_SIZE, EMBEDDING_DIM, PADDING_IDX)
    return {"input": inp, "weights": weights}


def reference(input, weights):
    bsz, seq_len = input.shape
    positions = make_positions(input, PADDING_IDX)
    flat = jnp.take(weights, positions.reshape(-1), axis=0)
    return flat.reshape(bsz, seq_len, -1)

if __name__ == "__main__":
    import jax
    _d = setup_inputs()
    print(jax.jit(kernel)(*tuple(_d.values())))

</pallas_src>

<mosaic_0001>
#map = affine_map<(d0, d1) -> (0)>
#map1 = affine_map<(d0, d1) -> (0, 0)>
module attributes {stable_mosaic.version = 14 : i64} {
  func.func @k(%arg0: i32, %arg1: i32, %arg2: memref<32768xi32, #tpu.memory_space<hbm>>, %arg3: memref<8194x1024xf32, #tpu.memory_space<hbm>>, %arg4: memref<32768x1024xf32, #tpu.memory_space<hbm>>, %arg5: memref<1024xi32, #tpu.memory_space<vmem>>, %arg6: memref<1024xi32, #tpu.memory_space<vmem>>, %arg7: memref<16xi32, #tpu.memory_space<vmem>>, %arg8: memref<32x16xi32, #tpu.memory_space<vmem>>, %arg9: memref<32x16xi32, #tpu.memory_space<vmem_shared>>, %arg10: memref<64xi32, #tpu.memory_space<smem>>, %arg11: memref<64xi32, #tpu.memory_space<smem>>, %arg12: memref<16x1024xf32, #tpu.memory_space<vmem>>, %arg13: memref<16x1024xf32, #tpu.memory_space<vmem>>, %arg14: memref<16x1024xf32, #tpu.memory_space<vmem>>, %arg15: memref<16x1024xf32, #tpu.memory_space<vmem>>, %arg16: memref<!tpu.dma_semaphore, #tpu.memory_space<semaphore_mem>>, %arg17: memref<!tpu.dma_semaphore, #tpu.memory_space<semaphore_mem>>, %arg18: memref<!tpu.dma_semaphore, #tpu.memory_space<semaphore_mem>>, %arg19: memref<!tpu.dma_semaphore, #tpu.memory_space<semaphore_mem>>, %arg20: memref<!tpu.dma_semaphore, #tpu.memory_space<semaphore_mem>>, %arg21: memref<!tpu.dma_semaphore, #tpu.memory_space<semaphore_mem>>, %arg22: memref<!tpu.dma_semaphore, #tpu.memory_space<semaphore_mem>>, %arg23: memref<!tpu.dma_semaphore, #tpu.memory_space<semaphore_mem>>) attributes {dimension_semantics = [#tpu.dimension_semantics<core_parallel>, #tpu.dimension_semantics<subcore_parallel>], iteration_bounds = array<i64: 2, 16>, scalar_prefetch = 0 : i64, scratch_operands = 19 : i64, tpu.core_type = #tpu.core_type<sc_vector_subcore>, window_params = [{transform_indices = #map}, {transform_indices = #map1}, {transform_indices = #map1}]} {
    %mul3A = arith.constant 512 : i32
    %mul3A_0 = arith.muli %arg1, %mul3A : i32
    %mul3A_1 = arith.constant 2 : i32
    %mul3A_2 = arith.muli %mul3A_1, %arg0 : i32
    %mul3A_3 = arith.constant 8192 : i32
    %mul3A_4 = arith.muli %mul3A_2, %mul3A_3 : i32
    %add3A = arith.addi %mul3A_4, %mul3A_0 : i32
    %mul3A_5 = arith.constant 2 : i32
    %mul3A_6 = arith.muli %mul3A_5, %arg0 : i32
    %add3A_7 = arith.constant 1 : i32
    %add3A_8 = arith.addi %mul3A_6, %add3A_7 : i32
    %mul3A_9 = arith.constant 8192 : i32
    %mul3A_10 = arith.muli %add3A_8, %mul3A_9 : i32
    %add3A_11 = arith.addi %mul3A_10, %mul3A_0 : i32
    "tpu.region"() ({
      %run_scoped3A = tpu.sem_alloc : memref<!tpu.dma_semaphore, #tpu.memory_space<semaphore_mem>>
      %dma_start3A = arith.constant 0 : i32
      %dma_start3A_790 = tpu.memref_slice %arg5[%dma_start3A] : memref<1024xi32, #tpu.memory_space<vmem>> -> memref<512xi32, #tpu.memory_space<vmem>>
      %dma_start3A_791 = tpu.memref_slice %arg2[%add3A] : memref<32768xi32, #tpu.memory_space<hbm>> -> memref<512xi32, #tpu.memory_space<hbm>>
      %dma_start3A_792 = arith.constant 0 : i32
      %dma_start3A_793 = tpu.memref_slice %arg5[%dma_start3A_792] : memref<1024xi32, #tpu.memory_space<vmem>> -> memref<512xi32, #tpu.memory_space<vmem>>
      %dma_start3A_794 = tpu.memref_slice %arg2[%add3A] : memref<32768xi32, #tpu.memory_space<hbm>> -> memref<512xi32, #tpu.memory_space<hbm>>
      tpu.enqueue_dma source(%dma_start3A_794 : memref<512xi32, #tpu.memory_space<hbm>>) target(%dma_start3A_793 : memref<512xi32, #tpu.memory_space<vmem>>) target_semaphore(%run_scoped3A : memref<!tpu.dma_semaphore, #tpu.memory_space<semaphore_mem>>)
      %dma_wait3A = arith.constant 0 : i32
      %dma_wait3A_795 = tpu.memref_slice %arg5[%dma_wait3A] : memref<1024xi32, #tpu.memory_space<vmem>> -> memref<512xi32, #tpu.memory_space<vmem>>
      %dma_wait3A_796 = tpu.memref_slice %arg2[%add3A] : memref<32768xi32, #tpu.memory_space<hbm>> -> memref<512xi32, #tpu.memory_space<hbm>>
      %dma_wait3A_797 = arith.constant 0 : i32
      %dma_wait3A_798 = tpu.memref_slice %arg5[%dma_wait3A_797] : memref<1024xi32, #tpu.memory_space<vmem>> -> memref<512xi32, #tpu.memory_space<vmem>>
      %dma_wait3A_799 = tpu.memref_slice %arg2[%add3A] : memref<32768xi32, #tpu.memory_space<hbm>> -> memref<512xi32, #tpu.memory_space<hbm>>
      tpu.wait_dma2 semaphore(%run_scoped3A : memref<!tpu.dma_semaphore, #tpu.memory_space<semaphore_mem>>) src(%dma_wait3A_799 : memref<512xi32, #tpu.memory_space<hbm>>) dst(%dma_wait3A_798 : memref<512xi32, #tpu.memory_space<vmem>>)
      tpu.yield
    }) : () -> ()
    "tpu.region"() ({
      %run_scoped3A = tpu.sem_alloc : memref<!tpu.dma_semaphore, #tpu.memory_space<semaphore_mem>>
      %dma_start3A = arith.constant 512 : i32
      %dma_start3A_790 = tpu.memref_slice %arg5[%dma_start3A] : memref<1024xi32, #tpu.memory_space<vmem>> -> memref<512xi32, #tpu.memory_space<vmem>>
      %dma_start3A_791 = tpu.memref_slice %arg2[%add3A_11] : memref<32768xi32, #tpu.memory_space<hbm>> -> memref<512xi32, #tpu.memory_space<hbm>>
      %dma_start3A_792 = arith.constant 512 : i32
      %dma_start3A_793 = tpu.memref_slice %arg5[%dma_start3A_792] : memref<1024xi32, #tpu.memory_space<vmem>> -> memref<512xi32, #tpu.memory_space<vmem>>
      %dma_start3A_794 = tpu.memref_slice %arg2[%add3A_11] : memref<32768xi32, #tpu.memory_space<hbm>> -> memref<512xi32, #tpu.memory_space<hbm>>
      tpu.enqueue_dma source(%dma_start3A_794 : memref<512xi32, #tpu.memory_space<hbm>>) target(%dma_start3A_793 : memref<512xi32, #tpu.memory_space<vmem>>) target_semaphore(%run_scoped3A : memref<!tpu.dma_semaphore, #tpu.memory_space<semaphore_mem>>)
      %dma_wait3A = arith.constant 512 : i32
      %dma_wait3A_795 = tpu.memref_slice %arg5[%dma_wait3A] : memref<1024xi32, #tpu.memory_space<vmem>> -> memref<512xi32, #tpu.memory_space<vmem>>
      %dma_wait3A_796 = tpu.memref_slice %arg2[%add3A_11] : memref<32768xi32, #tpu.memory_space<hbm>> -> memref<512xi32, #tpu.memory_space<hbm>>
      %dma_wait3A_797 = arith.constant 512 : i32
      %dma_wait3A_798 = tpu.memref_slice %arg5[%dma_wait3A_797] : memref<1024xi32, #tpu.memory_space<vmem>> -> memref<512xi32, #tpu.memory_space<vmem>>
      %dma_wait3A_799 = tpu.memref_slice %arg2[%add3A_11] : memref<32768xi32, #tpu.memory_space<hbm>> -> memref<512xi32, #tpu.memory_space<hbm>>
      tpu.wait_dma2 semaphore(%run_scoped3A : memref<!tpu.dma_semaphore, #tpu.memory_space<semaphore_mem>>) src(%dma_wait3A_799 : memref<512xi32, #tpu.memory_space<hbm>>) dst(%dma_wait3A_798 : memref<512xi32, #tpu.memory_space<vmem>>)
      tpu.yield
    }) : () -> ()
    %broadcast_in_dim3A = arith.constant 0 : i32
    %broadcast_in_dim3A_12 = vector.broadcast %broadcast_in_dim3A : i32 to vector<16xi32>
    %scan3A = arith.constant 0 : i32
    %scan3A_13 = arith.constant 32 : i32
    %scan3A_14 = arith.addi %scan3A, %scan3A_13 : i32
    %scan3A_15 = arith.constant 1 : i32
    %scan3A_16 = scf.for %scan3A_790 = %scan3A to %scan3A_14 step %scan3A_15 iter_args(%scan3A_791 = %broadcast_in_dim3A_12) -> (vector<16xi32>)  : i32 {
      %mul3A_792 = arith.constant 16 : i32
      %mul3A_793 = arith.muli %scan3A_790, %mul3A_792 : i32
      %get3A_794 = arith.index_cast %mul3A_793 : i32 to index
      %get3A_795 = tpu.vector_load %arg5[%get3A_794] {strides = array<i32>} : memref<1024xi32, #tpu.memory_space<vmem>>, vector<16xi32>,
      %get3A_796 = vector.shape_cast %get3A_795 : vector<16xi32> to vector<16xi32>
      %ne3A = arith.constant 1 : i32
      %ne3A_797 = vector.broadcast %ne3A : i32 to vector<16xi32>
      %ne3A_798 = arith.cmpi ne, %get3A_796, %ne3A_797 : vector<16xi32>
      %jit3A_799 = arith.constant 1 : i32
      %jit3A_800 = arith.constant 0 : i32
      %broadcast_in_dim3A_801 = vector.broadcast %jit3A_799 : i32 to vector<16xi32>
      %broadcast_in_dim3A_802 = vector.broadcast %jit3A_800 : i32 to vector<16xi32>
      %select_n3A_803 = arith.select %ne3A_798, %broadcast_in_dim3A_801, %broadcast_in_dim3A_802 : vector<16xi1>, vector<16xi32>
      %add3A_804 = arith.addi %scan3A_791, %select_n3A_803 : vector<16xi32>
      scf.yield %add3A_804 : vector<16xi32>
    }
    %scan3A_17 = arith.constant 32 : i32
    %broadcast_in_dim3A_18 = arith.constant 0 : i32
    %broadcast_in_dim3A_19 = vector.broadcast %broadcast_in_dim3A_18 : i32 to vector<16xi32>
    %scan3A_20 = arith.constant 32 : i32
    %scan3A_21 = arith.constant 32 : i32
    %scan3A_22 = arith.addi %scan3A_20, %scan3A_21 : i32
    %scan3A_23 = arith.constant 1 : i32
    %scan3A_24 = scf.for %scan3A_790 = %scan3A_20 to %scan3A_22 step %scan3A_23 iter_args(%scan3A_791 = %broadcast_in_dim3A_19) -> (vector<16xi32>)  : i32 {
      %mul3A_792 = arith.constant 16 : i32
      %mul3A_793 = arith.muli %scan3A_790, %mul3A_792 : i32
      %get3A_794 = arith.index_cast %mul3A_793 : i32 to index
      %get3A_795 = tpu.vector_load %arg5[%get3A_794] {strides = array<i32>} : memref<1024xi32, #tpu.memory_space<vmem>>, vector<16xi32>,
      %get3A_796 = vector.shape_cast %get3A_795 : vector<16xi32> to vector<16xi32>
      %ne3A = arith.constant 1 : i32
      %ne3A_797 = vector.broadcast %ne3A : i32 to vector<16xi32>
      %ne3A_798 = arith.cmpi ne, %get3A_796, %ne3A_797 : vector<16xi32>
      %jit3A_799 = arith.constant 1 : i32
      %jit3A_800 = arith.constant 0 : i32
      %broadcast_in_dim3A_801 = vector.broadcast %jit3A_799 : i32 to vector<16xi32>
      %broadcast_in_dim3A_802 = vector.broadcast %jit3A_800 : i32 to vector<16xi32>
      %select_n3A_803 = arith.select %ne3A_798, %broadcast_in_dim3A_801, %broadcast_in_dim3A_802 : vector<16xi1>, vector<16xi32>
      %add3A_804 = arith.addi %scan3A_791, %select_n3A_803 : vector<16xi32>
      scf.yield %add3A_804 : vector<16xi32>
    }
    %scan3A_25 = arith.constant 32 : i32
    %iota3A = tpu.iota {dimensions = array<i32: 0>} : vector<16xi32>
    %sub3A = arith.constant 1 : i32
    %sub3A_26 = vector.broadcast %sub3A : i32 to vector<16xi32>
    %sub3A_27 = arith.subi %iota3A, %sub3A_26 : vector<16xi32>
    %max3A = arith.constant 0 : i32
    %max3A_28 = vector.broadcast %max3A : i32 to vector<16xi32>
    %max3A_29 = arith.maxsi %sub3A_27, %max3A_28 : vector<16xi32>
    %broadcast_in_dim3A_30 = vector.shape_cast %max3A_29 : vector<16xi32> to vector<16x1xi32>
    %gather3A = vector.shape_cast %broadcast_in_dim3A_30 : vector<16x1xi32> to vector<16xi32>
    %gather3A_31 = tpu.dynamic_gather %scan3A_16[%gather3A] in [0] : vector<16xi32>, vector<16xi32> -> vector<16xi32>
    %ge3A = arith.constant 1 : i32
    %ge3A_32 = vector.broadcast %ge3A : i32 to vector<16xi32>
    %ge3A_33 = arith.cmpi sge, %iota3A, %ge3A_32 : vector<16xi32>
    %jit3A = arith.constant 0 : i32
    %broadcast_in_dim3A_34 = vector.broadcast %jit3A : i32 to vector<16xi32>
    %select_n3A = arith.select %ge3A_33, %gather3A_31, %broadcast_in_dim3A_34 : vector<16xi1>, vector<16xi32>
    %add3A_35 = arith.addi %scan3A_16, %select_n3A : vector<16xi32>
    %sub3A_36 = arith.constant 2 : i32
    %sub3A_37 = vector.broadcast %sub3A_36 : i32 to vector<16xi32>
    %sub3A_38 = arith.subi %iota3A, %sub3A_37 : vector<16xi32>
    %max3A_39 = arith.constant 0 : i32
    %max3A_40 = vector.broadcast %max3A_39 : i32 to vector<16xi32>
    %max3A_41 = arith.maxsi %sub3A_38, %max3A_40 : vector<16xi32>
    %broadcast_in_dim3A_42 = vector.shape_cast %max3A_41 : vector<16xi32> to vector<16x1xi32>
    %gather3A_43 = vector.shape_cast %broadcast_in_dim3A_42 : vector<16x1xi32> to vector<16xi32>
    %gather3A_44 = tpu.dynamic_gather %add3A_35[%gather3A_43] in [0] : vector<16xi32>, vector<16xi32> -> vector<16xi32>
    %ge3A_45 = arith.constant 2 : i32
    %ge3A_46 = vector.broadcast %ge3A_45 : i32 to vector<16xi32>
    %ge3A_47 = arith.cmpi sge, %iota3A, %ge3A_46 : vector<16xi32>
    %jit3A_48 = arith.constant 0 : i32
    %broadcast_in_dim3A_49 = vector.broadcast %jit3A_48 : i32 to vector<16xi32>
    %select_n3A_50 = arith.select %ge3A_47, %gather3A_44, %broadcast_in_dim3A_49 : vector<16xi1>, vector<16xi32>
    %add3A_51 = arith.addi %add3A_35, %select_n3A_50 : vector<16xi32>
    %sub3A_52 = arith.constant 4 : i32
    %sub3A_53 = vector.broadcast %sub3A_52 : i32 to vector<16xi32>
    %sub3A_54 = arith.subi %iota3A, %sub3A_53 : vector<16xi32>
    %max3A_55 = arith.constant 0 : i32
    %max3A_56 = vector.broadcast %max3A_55 : i32 to vector<16xi32>
    %max3A_57 = arith.maxsi %sub3A_54, %max3A_56 : vector<16xi32>
    %broadcast_in_dim3A_58 = vector.shape_cast %max3A_57 : vector<16xi32> to vector<16x1xi32>
    %gather3A_59 = vector.shape_cast %broadcast_in_dim3A_58 : vector<16x1xi32> to vector<16xi32>
    %gather3A_60 = tpu.dynamic_gather %add3A_51[%gather3A_59] in [0] : vector<16xi32>, vector<16xi32> -> vector<16xi32>
    %ge3A_61 = arith.constant 4 : i32
    %ge3A_62 = vector.broadcast %ge3A_61 : i32 to vector<16xi32>
    %ge3A_63 = arith.cmpi sge, %iota3A, %ge3A_62 : vector<16xi32>
    %jit3A_64 = arith.constant 0 : i32
    %broadcast_in_dim3A_65 = vector.broadcast %jit3A_64 : i32 to vector<16xi32>
    %select_n3A_66 = arith.select %ge3A_63, %gather3A_60, %broadcast_in_dim3A_65 : vector<16xi1>, vector<16xi32>
    %add3A_67 = arith.addi %add3A_51, %select_n3A_66 : vector<16xi32>
    %sub3A_68 = arith.constant 8 : i32
    %sub3A_69 = vector.broadcast %sub3A_68 : i32 to vector<16xi32>
    %sub3A_70 = arith.subi %iota3A, %sub3A_69 : vector<16xi32>
    %max3A_71 = arith.constant 0 : i32
    %max3A_72 = vector.broadcast %max3A_71 : i32 to vector<16xi32>
    %max3A_73 = arith.maxsi %sub3A_70, %max3A_72 : vector<16xi32>
    %broadcast_in_dim3A_74 = vector.shape_cast %max3A_73 : vector<16xi32> to vector<16x1xi32>
    %gather3A_75 = vector.shape_cast %broadcast_in_dim3A_74 : vector<16x1xi32> to vector<16xi32>
    %gather3A_76 = tpu.dynamic_gather %add3A_67[%gather3A_75] in [0] : vector<16xi32>, vector<16xi32> -> vector<16xi32>
    %ge3A_77 = arith.constant 8 : i32
    %ge3A_78 = vector.broadcast %ge3A_77 : i32 to vector<16xi32>
    %ge3A_79 = arith.cmpi sge, %iota3A, %ge3A_78 : vector<16xi32>
    %jit3A_80 = arith.constant 0 : i32
    %broadcast_in_dim3A_81 = vector.broadcast %jit3A_80 : i32 to vector<16xi32>
    %select_n3A_82 = arith.select %ge3A_79, %gather3A_76, %broadcast_in_dim3A_81 : vector<16xi1>, vector<16xi32>
    %add3A_83 = arith.addi %add3A_67, %select_n3A_82 : vector<16xi32>
    %broadcast_in_dim3A_84 = arith.constant 0 : i32
    %broadcast_in_dim3A_85 = vector.broadcast %broadcast_in_dim3A_84 : i32 to vector<16xi32>
    %add3A_86 = arith.constant 15 : i32
    %add3A_87 = vector.broadcast %add3A_86 : i32 to vector<16xi32>
    %add3A_88 = arith.addi %broadcast_in_dim3A_85, %add3A_87 : vector<16xi32>
    %broadcast_in_dim3A_89 = vector.shape_cast %add3A_88 : vector<16xi32> to vector<16x1xi32>
    %gather3A_90 = vector.shape_cast %broadcast_in_dim3A_89 : vector<16x1xi32> to vector<16xi32>
    %gather3A_91 = tpu.dynamic_gather %add3A_83[%gather3A_90] in [0] : vector<16xi32>, vector<16xi32> -> vector<16xi32>
    %swap3A = arith.constant 0 : index
    %swap3A_92 = tpu.vector_load %arg7[%swap3A] {strides = array<i32>} : memref<16xi32, #tpu.memory_space<vmem>>, vector<16xi32>,
    %swap3A_93 = vector.shape_cast %swap3A_92 : vector<16xi32> to vector<16xi32>
    %swap3A_94 = vector.shape_cast %gather3A_91 : vector<16xi32> to vector<16xi32>
    tpu.vector_store %arg7[%swap3A], %swap3A_94 {strides = array<i32>} : memref<16xi32, #tpu.memory_space<vmem>>, vector<16xi32>,
    "tpu.region"() ({
      %run_scoped3A = tpu.sem_alloc : memref<!tpu.dma_semaphore, #tpu.memory_space<semaphore_mem>>
      %dma_start3A = arith.constant 0 : i32
      %dma_start3A_790 = tpu.memref_slice %arg9[%arg1, %dma_start3A] : memref<32x16xi32, #tpu.memory_space<vmem_shared>> -> memref<1x16xi32, #tpu.memory_space<vmem_shared>>
      %dma_start3A_791 = tpu.memref_squeeze %dma_start3A_790 : memref<1x16xi32, #tpu.memory_space<vmem_shared>> -> memref<16xi32, #tpu.memory_space<vmem_shared>>
      %dma_start3A_792 = arith.constant 0 : i32
      %dma_start3A_793 = tpu.memref_slice %arg9[%arg1, %dma_start3A_792] : memref<32x16xi32, #tpu.memory_space<vmem_shared>> -> memref<1x16xi32, #tpu.memory_space<vmem_shared>>
      %dma_start3A_794 = tpu.memref_squeeze %dma_start3A_793 : memref<1x16xi32, #tpu.memory_space<vmem_shared>> -> memref<16xi32, #tpu.memory_space<vmem_shared>>
      tpu.enqueue_dma source(%arg7 : memref<16xi32, #tpu.memory_space<vmem>>) target(%dma_start3A_794 : memref<16xi32, #tpu.memory_space<vmem_shared>>) target_semaphore(%run_scoped3A : memref<!tpu.dma_semaphore, #tpu.memory_space<semaphore_mem>>)
      %dma_wait3A = arith.constant 0 : i32
      %dma_wait3A_795 = tpu.memref_slice %arg9[%arg1, %dma_wait3A] : memref<32x16xi32, #tpu.memory_space<vmem_shared>> -> memref<1x16xi32, #tpu.memory_space<vmem_shared>>
      %dma_wait3A_796 = tpu.memref_squeeze %dma_wait3A_795 : memref<1x16xi32, #tpu.memory_space<vmem_shared>> -> memref<16xi32, #tpu.memory_space<vmem_shared>>
      %dma_wait3A_797 = arith.constant 0 : i32
      %dma_wait3A_798 = tpu.memref_slice %arg9[%arg1, %dma_wait3A_797] : memref<32x16xi32, #tpu.memory_space<vmem_shared>> -> memref<1x16xi32, #tpu.memory_space<vmem_shared>>
      %dma_wait3A_799 = tpu.memref_squeeze %dma_wait3A_798 : memref<1x16xi32, #tpu.memory_space<vmem_shared>> -> memref<16xi32, #tpu.memory_space<vmem_shared>>
      tpu.wait_dma2 semaphore(%run_scoped3A : memref<!tpu.dma_semaphore, #tpu.memory_space<semaphore_mem>>) src(%arg7 : memref<16xi32, #tpu.memory_space<vmem>>) dst(%dma_wait3A_799 : memref<16xi32, #tpu.memory_space<vmem_shared>>)
      tpu.yield
    }) : () -> ()
    %iota3A_95 = tpu.iota {dimensions = array<i32: 0>} : vector<16xi32>
    %sub3A_96 = arith.constant 1 : i32
    %sub3A_97 = vector.broadcast %sub3A_96 : i32 to vector<16xi32>
    %sub3A_98 = arith.subi %iota3A_95, %sub3A_97 : vector<16xi32>
    %max3A_99 = arith.constant 0 : i32
    %max3A_100 = vector.broadcast %max3A_99 : i32 to vector<16xi32>
    %max3A_101 = arith.maxsi %sub3A_98, %max3A_100 : vector<16xi32>
    %broadcast_in_dim3A_102 = vector.shape_cast %max3A_101 : vector<16xi32> to vector<16x1xi32>
    %gather3A_103 = vector.shape_cast %broadcast_in_dim3A_102 : vector<16x1xi32> to vector<16xi32>
    %gather3A_104 = tpu.dynamic_gather %scan3A_24[%gather3A_103] in [0] : vector<16xi32>, vector<16xi32> -> vector<16xi32>
    %ge3A_105 = arith.constant 1 : i32
    %ge3A_106 = vector.broadcast %ge3A_105 : i32 to vector<16xi32>
    %ge3A_107 = arith.cmpi sge, %iota3A_95, %ge3A_106 : vector<16xi32>
    %jit3A_108 = arith.constant 0 : i32
    %broadcast_in_dim3A_109 = vector.broadcast %jit3A_108 : i32 to vector<16xi32>
    %select_n3A_110 = arith.select %ge3A_107, %gather3A_104, %broadcast_in_dim3A_109 : vector<16xi1>, vector<16xi32>
    %add3A_111 = arith.addi %scan3A_24, %select_n3A_110 : vector<16xi32>
    %sub3A_112 = arith.constant 2 : i32
    %sub3A_113 = vector.broadcast %sub3A_112 : i32 to vector<16xi32>
    %sub3A_114 = arith.subi %iota3A_95, %sub3A_113 : vector<16xi32>
    %max3A_115 = arith.constant 0 : i32
    %max3A_116 = vector.broadcast %max3A_115 : i32 to vector<16xi32>
    %max3A_117 = arith.maxsi %sub3A_114, %max3A_116 : vector<16xi32>
    %broadcast_in_dim3A_118 = vector.shape_cast %max3A_117 : vector<16xi32> to vector<16x1xi32>
    %gather3A_119 = vector.shape_cast %broadcast_in_dim3A_118 : vector<16x1xi32> to vector<16xi32>
    %gather3A_120 = tpu.dynamic_gather %add3A_111[%gather3A_119] in [0] : vector<16xi32>, vector<16xi32> -> vector<16xi32>
    %ge3A_121 = arith.constant 2 : i32
    %ge3A_122 = vector.broadcast %ge3A_121 : i32 to vector<16xi32>
    %ge3A_123 = arith.cmpi sge, %iota3A_95, %ge3A_122 : vector<16xi32>
    %jit3A_124 = arith.constant 0 : i32
    %broadcast_in_dim3A_125 = vector.broadcast %jit3A_124 : i32 to vector<16xi32>
    %select_n3A_126 = arith.select %ge3A_123, %gather3A_120, %broadcast_in_dim3A_125 : vector<16xi1>, vector<16xi32>
    %add3A_127 = arith.addi %add3A_111, %select_n3A_126 : vector<16xi32>
    %sub3A_128 = arith.constant 4 : i32
    %sub3A_129 = vector.broadcast %sub3A_128 : i32 to vector<16xi32>
    %sub3A_130 = arith.subi %iota3A_95, %sub3A_129 : vector<16xi32>
    %max3A_131 = arith.constant 0 : i32
    %max3A_132 = vector.broadcast %max3A_131 : i32 to vector<16xi32>
    %max3A_133 = arith.maxsi %sub3A_130, %max3A_132 : vector<16xi32>
    %broadcast_in_dim3A_134 = vector.shape_cast %max3A_133 : vector<16xi32> to vector<16x1xi32>
    %gather3A_135 = vector.shape_cast %broadcast_in_dim3A_134 : vector<16x1xi32> to vector<16xi32>
    %gather3A_136 = tpu.dynamic_gather %add3A_127[%gather3A_135] in [0] : vector<16xi32>, vector<16xi32> -> vector<16xi32>
    %ge3A_137 = arith.constant 4 : i32
    %ge3A_138 = vector.broadcast %ge3A_137 : i32 to vector<16xi32>
    %ge3A_139 = arith.cmpi sge, %iota3A_95, %ge3A_138 : vector<16xi32>
    %jit3A_140 = arith.constant 0 : i32
    %broadcast_in_dim3A_141 = vector.broadcast %jit3A_140 : i32 to vector<16xi32>
    %select_n3A_142 = arith.select %ge3A_139, %gather3A_136, %broadcast_in_dim3A_141 : vector<16xi1>, vector<16xi32>
    %add3A_143 = arith.addi %add3A_127, %select_n3A_142 : vector<16xi32>
    %sub3A_144 = arith.constant 8 : i32
    %sub3A_145 = vector.broadcast %sub3A_144 : i32 to vector<16xi32>
    %sub3A_146 = arith.subi %iota3A_95, %sub3A_145 : vector<16xi32>
    %max3A_147 = arith.constant 0 : i32
    %max3A_148 = vector.broadcast %max3A_147 : i32 to vector<16xi32>
    %max3A_149 = arith.maxsi %sub3A_146, %max3A_148 : vector<16xi32>
    %broadcast_in_dim3A_150 = vector.shape_cast %max3A_149 : vector<16xi32> to vector<16x1xi32>
    %gather3A_151 = vector.shape_cast %broadcast_in_dim3A_150 : vector<16x1xi32> to vector<16xi32>
    %gather3A_152 = tpu.dynamic_gather %add3A_143[%gather3A_151] in [0] : vector<16xi32>, vector<16xi32> -> vector<16xi32>
    %ge3A_153 = arith.constant 8 : i32
    %ge3A_154 = vector.broadcast %ge3A_153 : i32 to vector<16xi32>
    %ge3A_155 = arith.cmpi sge, %iota3A_95, %ge3A_154 : vector<16xi32>
    %jit3A_156 = arith.constant 0 : i32
    %broadcast_in_dim3A_157 = vector.broadcast %jit3A_156 : i32 to vector<16xi32>
    %select_n3A_158 = arith.select %ge3A_155, %gather3A_152, %broadcast_in_dim3A_157 : vector<16xi1>, vector<16xi32>
    %add3A_159 = arith.addi %add3A_143, %select_n3A_158 : vector<16xi32>
    %broadcast_in_dim3A_160 = arith.constant 0 : i32
    %broadcast_in_dim3A_161 = vector.broadcast %broadcast_in_dim3A_160 : i32 to vector<16xi32>
    %add3A_162 = arith.constant 15 : i32
    %add3A_163 = vector.broadcast %add3A_162 : i32 to vector<16xi32>
    %add3A_164 = arith.addi %broadcast_in_dim3A_161, %add3A_163 : vector<16xi32>
    %broadcast_in_dim3A_165 = vector.shape_cast %add3A_164 : vector<16xi32> to vector<16x1xi32>
    %gather3A_166 = vector.shape_cast %broadcast_in_dim3A_165 : vector<16x1xi32> to vector<16xi32>
    %gather3A_167 = tpu.dynamic_gather %add3A_159[%gather3A_166] in [0] : vector<16xi32>, vector<16xi32> -> vector<16xi32>
    %swap3A_168 = arith.constant 0 : index
    %swap3A_169 = tpu.vector_load %arg7[%swap3A_168] {strides = array<i32>} : memref<16xi32, #tpu.memory_space<vmem>>, vector<16xi32>,
    %swap3A_170 = vector.shape_cast %swap3A_169 : vector<16xi32> to vector<16xi32>
    %swap3A_171 = vector.shape_cast %gather3A_167 : vector<16xi32> to vector<16xi32>
    tpu.vector_store %arg7[%swap3A_168], %swap3A_171 {strides = array<i32>} : memref<16xi32, #tpu.memory_space<vmem>>, vector<16xi32>,
    %add3A_172 = arith.constant 16 : i32
    %add3A_173 = arith.addi %add3A_172, %arg1 : i32
    "tpu.region"() ({
      %run_scoped3A = tpu.sem_alloc : memref<!tpu.dma_semaphore, #tpu.memory_space<semaphore_mem>>
      %dma_start3A = arith.constant 0 : i32
      %dma_start3A_790 = tpu.memref_slice %arg9[%add3A_173, %dma_start3A] : memref<32x16xi32, #tpu.memory_space<vmem_shared>> -> memref<1x16xi32, #tpu.memory_space<vmem_shared>>
      %dma_start3A_791 = tpu.memref_squeeze %dma_start3A_790 : memref<1x16xi32, #tpu.memory_space<vmem_shared>> -> memref<16xi32, #tpu.memory_space<vmem_shared>>
      %dma_start3A_792 = arith.constant 0 : i32
      %dma_start3A_793 = tpu.memref_slice %arg9[%add3A_173, %dma_start3A_792] : memref<32x16xi32, #tpu.memory_space<vmem_shared>> -> memref<1x16xi32, #tpu.memory_space<vmem_shared>>
      %dma_start3A_794 = tpu.memref_squeeze %dma_start3A_793 : memref<1x16xi32, #tpu.memory_space<vmem_shared>> -> memref<16xi32, #tpu.memory_space<vmem_shared>>
      tpu.enqueue_dma source(%arg7 : memref<16xi32, #tpu.memory_space<vmem>>) target(%dma_start3A_794 : memref<16xi32, #tpu.memory_space<vmem_shared>>) target_semaphore(%run_scoped3A : memref<!tpu.dma_semaphore, #tpu.memory_space<semaphore_mem>>)
      %dma_wait3A = arith.constant 0 : i32
      %dma_wait3A_795 = tpu.memref_slice %arg9[%add3A_173, %dma_wait3A] : memref<32x16xi32, #tpu.memory_space<vmem_shared>> -> memref<1x16xi32, #tpu.memory_space<vmem_shared>>
      %dma_wait3A_796 = tpu.memref_squeeze %dma_wait3A_795 : memref<1x16xi32, #tpu.memory_space<vmem_shared>> -> memref<16xi32, #tpu.memory_space<vmem_shared>>
      %dma_wait3A_797 = arith.constant 0 : i32
      %dma_wait3A_798 = tpu.memref_slice %arg9[%add3A_173, %dma_wait3A_797] : memref<32x16xi32, #tpu.memory_space<vmem_shared>> -> memref<1x16xi32, #tpu.memory_space<vmem_shared>>
      %dma_wait3A_799 = tpu.memref_squeeze %dma_wait3A_798 : memref<1x16xi32, #tpu.memory_space<vmem_shared>> -> memref<16xi32, #tpu.memory_space<vmem_shared>>
      tpu.wait_dma2 semaphore(%run_scoped3A : memref<!tpu.dma_semaphore, #tpu.memory_space<semaphore_mem>>) src(%arg7 : memref<16xi32, #tpu.memory_space<vmem>>) dst(%dma_wait3A_799 : memref<16xi32, #tpu.memory_space<vmem_shared>>)
      tpu.yield
    }) : () -> ()
    %barrier3A = arith.constant 0 : index
    tpu.barrier barrier_id(%barrier3A)
    "tpu.region"() ({
      %run_scoped3A = tpu.sem_alloc : memref<!tpu.dma_semaphore, #tpu.memory_space<semaphore_mem>>
      tpu.enqueue_dma source(%arg9 : memref<32x16xi32, #tpu.memory_space<vmem_shared>>) target(%arg8 : memref<32x16xi32, #tpu.memory_space<vmem>>) target_semaphore(%run_scoped3A : memref<!tpu.dma_semaphore, #tpu.memory_space<semaphore_mem>>)
      tpu.wait_dma2 semaphore(%run_scoped3A : memref<!tpu.dma_semaphore, #tpu.memory_space<semaphore_mem>>) src(%arg9 : memref<32x16xi32, #tpu.memory_space<vmem_shared>>) dst(%arg8 : memref<32x16xi32, #tpu.memory_space<vmem>>)
      tpu.yield
    }) : () -> ()
    %iota3A_174 = tpu.iota {dimensions = array<i32: 0>} : vector<16xi32>
    %broadcast_in_dim3A_175 = arith.constant 0 : i32
    %broadcast_in_dim3A_176 = vector.broadcast %broadcast_in_dim3A_175 : i32 to vector<16xi32>
    %broadcast_in_dim3A_177 = arith.constant 0 : i32
    %broadcast_in_dim3A_178 = vector.broadcast %broadcast_in_dim3A_177 : i32 to vector<16xi32>
    %eq3A = arith.constant 0 : i32
    %eq3A_179 = vector.broadcast %eq3A : i32 to vector<16xi32>
    %eq3A_180 = arith.cmpi eq, %iota3A_174, %eq3A_179 : vector<16xi32>
    %get3A = arith.constant 0 : i32
    %get3A_181 = arith.index_cast %get3A : i32 to index
    %get3A_182 = arith.constant 0 : index
    %get3A_183 = tpu.vector_load %arg8[%get3A_181, %get3A_182] {strides = array<i32>} : memref<32x16xi32, #tpu.memory_space<vmem>>, vector<1x16xi32>,
    %get3A_184 = vector.shape_cast %get3A_183 : vector<1x16xi32> to vector<16xi32>
    %jit3A_185 = arith.constant 0 : i32
    %broadcast_in_dim3A_186 = vector.broadcast %jit3A_185 : i32 to vector<16xi32>
    %select_n3A_187 = arith.select %eq3A_180, %get3A_184, %broadcast_in_dim3A_186 : vector<16xi1>, vector<16xi32>
    %add3A_188 = arith.addi %broadcast_in_dim3A_176, %select_n3A_187 : vector<16xi32>
    %eq3A_189 = arith.constant 0 : i32
    %eq3A_190 = vector.broadcast %eq3A_189 : i32 to vector<16xi32>
    %eq3A_191 = arith.cmpi eq, %iota3A_174, %eq3A_190 : vector<16xi32>
    %get3A_192 = arith.constant 16 : i32
    %get3A_193 = arith.index_cast %get3A_192 : i32 to index
    %get3A_194 = arith.constant 0 : index
    %get3A_195 = tpu.vector_load %arg8[%get3A_193, %get3A_194] {strides = array<i32>} : memref<32x16xi32, #tpu.memory_space<vmem>>, vector<1x16xi32>,
    %get3A_196 = vector.shape_cast %get3A_195 : vector<1x16xi32> to vector<16xi32>
    %jit3A_197 = arith.constant 0 : i32
    %broadcast_in_dim3A_198 = vector.broadcast %jit3A_197 : i32 to vector<16xi32>
    %select_n3A_199 = arith.select %eq3A_191, %get3A_196, %broadcast_in_dim3A_198 : vector<16xi1>, vector<16xi32>
    %add3A_200 = arith.addi %broadcast_in_dim3A_178, %select_n3A_199 : vector<16xi32>
    %eq3A_201 = arith.constant 1 : i32
    %eq3A_202 = vector.broadcast %eq3A_201 : i32 to vector<16xi32>
    %eq3A_203 = arith.cmpi eq, %iota3A_174, %eq3A_202 : vector<16xi32>
    %get3A_204 = arith.constant 1 : i32
    %get3A_205 = arith.index_cast %get3A_204 : i32 to index
    %get3A_206 = arith.constant 0 : index
    %get3A_207 = tpu.vector_load %arg8[%get3A_205, %get3A_206] {strides = array<i32>} : memref<32x16xi32, #tpu.memory_space<vmem>>, vector<1x16xi32>,
    %get3A_208 = vector.shape_cast %get3A_207 : vector<1x16xi32> to vector<16xi32>
    %jit3A_209 = arith.constant 0 : i32
    %broadcast_in_dim3A_210 = vector.broadcast %jit3A_209 : i32 to vector<16xi32>
    %select_n3A_211 = arith.select %eq3A_203, %get3A_208, %broadcast_in_dim3A_210 : vector<16xi1>, vector<16xi32>
    %add3A_212 = arith.addi %add3A_188, %select_n3A_211 : vector<16xi32>
    %eq3A_213 = arith.constant 1 : i32
    %eq3A_214 = vector.broadcast %eq3A_213 : i32 to vector<16xi32>
    %eq3A_215 = arith.cmpi eq, %iota3A_174, %eq3A_214 : vector<16xi32>
    %get3A_216 = arith.constant 17 : i32
    %get3A_217 = arith.index_cast %get3A_216 : i32 to index
    %get3A_218 = arith.constant 0 : index
    %get3A_219 = tpu.vector_load %arg8[%get3A_217, %get3A_218] {strides = array<i32>} : memref<32x16xi32, #tpu.memory_space<vmem>>, vector<1x16xi32>,
    %get3A_220 = vector.shape_cast %get3A_219 : vector<1x16xi32> to vector<16xi32>
    %jit3A_221 = arith.constant 0 : i32
    %broadcast_in_dim3A_222 = vector.broadcast %jit3A_221 : i32 to vector<16xi32>
    %select_n3A_223 = arith.select %eq3A_215, %get3A_220, %broadcast_in_dim3A_222 : vector<16xi1>, vector<16xi32>
    %add3A_224 = arith.addi %add3A_200, %select_n3A_223 : vector<16xi32>
    %eq3A_225 = arith.constant 2 : i32
    %eq3A_226 = vector.broadcast %eq3A_225 : i32 to vector<16xi32>
    %eq3A_227 = arith.cmpi eq, %iota3A_174, %eq3A_226 : vector<16xi32>
    %get3A_228 = arith.constant 2 : i32
    %get3A_229 = arith.index_cast %get3A_228 : i32 to index
    %get3A_230 = arith.constant 0 : index
    %get3A_231 = tpu.vector_load %arg8[%get3A_229, %get3A_230] {strides = array<i32>} : memref<32x16xi32, #tpu.memory_space<vmem>>, vector<1x16xi32>,
    %get3A_232 = vector.shape_cast %get3A_231 : vector<1x16xi32> to vector<16xi32>
    %jit3A_233 = arith.constant 0 : i32
    %broadcast_in_dim3A_234 = vector.broadcast %jit3A_233 : i32 to vector<16xi32>
    %select_n3A_235 = arith.select %eq3A_227, %get3A_232, %broadcast_in_dim3A_234 : vector<16xi1>, vector<16xi32>
    %add3A_236 = arith.addi %add3A_212, %select_n3A_235 : vector<16xi32>
    %eq3A_237 = arith.constant 2 : i32
    %eq3A_238 = vector.broadcast %eq3A_237 : i32 to vector<16xi32>
    %eq3A_239 = arith.cmpi eq, %iota3A_174, %eq3A_238 : vector<16xi32>
    %get3A_240 = arith.constant 18 : i32
    %get3A_241 = arith.index_cast %get3A_240 : i32 to index
    %get3A_242 = arith.constant 0 : index
    %get3A_243 = tpu.vector_load %arg8[%get3A_241, %get3A_242] {strides = array<i32>} : memref<32x16xi32, #tpu.memory_space<vmem>>, vector<1x16xi32>,
    %get3A_244 = vector.shape_cast %get3A_243 : vector<1x16xi32> to vector<16xi32>
    %jit3A_245 = arith.constant 0 : i32
    %broadcast_in_dim3A_246 = vector.broadcast %jit3A_245 : i32 to vector<16xi32>
    %select_n3A_247 = arith.select %eq3A_239, %get3A_244, %broadcast_in_dim3A_246 : vector<16xi1>, vector<16xi32>
    %add3A_248 = arith.addi %add3A_224, %select_n3A_247 : vector<16xi32>
    %eq3A_249 = arith.constant 3 : i32
    %eq3A_250 = vector.broadcast %eq3A_249 : i32 to vector<16xi32>
    %eq3A_251 = arith.cmpi eq, %iota3A_174, %eq3A_250 : vector<16xi32>
    %get3A_252 = arith.constant 3 : i32
    %get3A_253 = arith.index_cast %get3A_252 : i32 to index
    %get3A_254 = arith.constant 0 : index
    %get3A_255 = tpu.vector_load %arg8[%get3A_253, %get3A_254] {strides = array<i32>} : memref<32x16xi32, #tpu.memory_space<vmem>>, vector<1x16xi32>,
    %get3A_256 = vector.shape_cast %get3A_255 : vector<1x16xi32> to vector<16xi32>
    %jit3A_257 = arith.constant 0 : i32
    %broadcast_in_dim3A_258 = vector.broadcast %jit3A_257 : i32 to vector<16xi32>
    %select_n3A_259 = arith.select %eq3A_251, %get3A_256, %broadcast_in_dim3A_258 : vector<16xi1>, vector<16xi32>
    %add3A_260 = arith.addi %add3A_236, %select_n3A_259 : vector<16xi32>
    %eq3A_261 = arith.constant 3 : i32
    %eq3A_262 = vector.broadcast %eq3A_261 : i32 to vector<16xi32>
    %eq3A_263 = arith.cmpi eq, %iota3A_174, %eq3A_262 : vector<16xi32>
    %get3A_264 = arith.constant 19 : i32
    %get3A_265 = arith.index_cast %get3A_264 : i32 to index
    %get3A_266 = arith.constant 0 : index
    %get3A_267 = tpu.vector_load %arg8[%get3A_265, %get3A_266] {strides = array<i32>} : memref<32x16xi32, #tpu.memory_space<vmem>>, vector<1x16xi32>,
    %get3A_268 = vector.shape_cast %get3A_267 : vector<1x16xi32> to vector<16xi32>
    %jit3A_269 = arith.constant 0 : i32
    %broadcast_in_dim3A_270 = vector.broadcast %jit3A_269 : i32 to vector<16xi32>
    %select_n3A_271 = arith.select %eq3A_263, %get3A_268, %broadcast_in_dim3A_270 : vector<16xi1>, vector<16xi32>
    %add3A_272 = arith.addi %add3A_248, %select_n3A_271 : vector<16xi32>
    %eq3A_273 = arith.constant 4 : i32
    %eq3A_274 = vector.broadcast %eq3A_273 : i32 to vector<16xi32>
    %eq3A_275 = arith.cmpi eq, %iota3A_174, %eq3A_274 : vector<16xi32>
    %get3A_276 = arith.constant 4 : i32
    %get3A_277 = arith.index_cast %get3A_276 : i32 to index
    %get3A_278 = arith.constant 0 : index
    %get3A_279 = tpu.vector_load %arg8[%get3A_277, %get3A_278] {strides = array<i32>} : memref<32x16xi32, #tpu.memory_space<vmem>>, vector<1x16xi32>,
    %get3A_280 = vector.shape_cast %get3A_279 : vector<1x16xi32> to vector<16xi32>
    %jit3A_281 = arith.constant 0 : i32
    %broadcast_in_dim3A_282 = vector.broadcast %jit3A_281 : i32 to vector<16xi32>
    %select_n3A_283 = arith.select %eq3A_275, %get3A_280, %broadcast_in_dim3A_282 : vector<16xi1>, vector<16xi32>
    %add3A_284 = arith.addi %add3A_260, %select_n3A_283 : vector<16xi32>
    %eq3A_285 = arith.constant 4 : i32
    %eq3A_286 = vector.broadcast %eq3A_285 : i32 to vector<16xi32>
    %eq3A_287 = arith.cmpi eq, %iota3A_174, %eq3A_286 : vector<16xi32>
    %get3A_288 = arith.constant 20 : i32
    %get3A_289 = arith.index_cast %get3A_288 : i32 to index
    %get3A_290 = arith.constant 0 : index
    %get3A_291 = tpu.vector_load %arg8[%get3A_289, %get3A_290] {strides = array<i32>} : memref<32x16xi32, #tpu.memory_space<vmem>>, vector<1x16xi32>,
    %get3A_292 = vector.shape_cast %get3A_291 : vector<1x16xi32> to vector<16xi32>
    %jit3A_293 = arith.constant 0 : i32
    %broadcast_in_dim3A_294 = vector.broadcast %jit3A_293 : i32 to vector<16xi32>
    %select_n3A_295 = arith.select %eq3A_287, %get3A_292, %broadcast_in_dim3A_294 : vector<16xi1>, vector<16xi32>
    %add3A_296 = arith.addi %add3A_272, %select_n3A_295 : vector<16xi32>
    %eq3A_297 = arith.constant 5 : i32
    %eq3A_298 = vector.broadcast %eq3A_297 : i32 to vector<16xi32>
    %eq3A_299 = arith.cmpi eq, %iota3A_174, %eq3A_298 : vector<16xi32>
    %get3A_300 = arith.constant 5 : i32
    %get3A_301 = arith.index_cast %get3A_300 : i32 to index
    %get3A_302 = arith.constant 0 : index
    %get3A_303 = tpu.vector_load %arg8[%get3A_301, %get3A_302] {strides = array<i32>} : memref<32x16xi32, #tpu.memory_space<vmem>>, vector<1x16xi32>,
    %get3A_304 = vector.shape_cast %get3A_303 : vector<1x16xi32> to vector<16xi32>
    %jit3A_305 = arith.constant 0 : i32
    %broadcast_in_dim3A_306 = vector.broadcast %jit3A_305 : i32 to vector<16xi32>
    %select_n3A_307 = arith.select %eq3A_299, %get3A_304, %broadcast_in_dim3A_306 : vector<16xi1>, vector<16xi32>
    %add3A_308 = arith.addi %add3A_284, %select_n3A_307 : vector<16xi32>
    %eq3A_309 = arith.constant 5 : i32
    %eq3A_310 = vector.broadcast %eq3A_309 : i32 to vector<16xi32>
    %eq3A_311 = arith.cmpi eq, %iota3A_174, %eq3A_310 : vector<16xi32>
    %get3A_312 = arith.constant 21 : i32
    %get3A_313 = arith.index_cast %get3A_312 : i32 to index
    %get3A_314 = arith.constant 0 : index
    %get3A_315 = tpu.vector_load %arg8[%get3A_313, %get3A_314] {strides = array<i32>} : memref<32x16xi32, #tpu.memory_space<vmem>>, vector<1x16xi32>,
    %get3A_316 = vector.shape_cast %get3A_315 : vector<1x16xi32> to vector<16xi32>
    %jit3A_317 = arith.constant 0 : i32
    %broadcast_in_dim3A_318 = vector.broadcast %jit3A_317 : i32 to vector<16xi32>
    %select_n3A_319 = arith.select %eq3A_311, %get3A_316, %broadcast_in_dim3A_318 : vector<16xi1>, vector<16xi32>
    %add3A_320 = arith.addi %add3A_296, %select_n3A_319 : vector<16xi32>
    %eq3A_321 = arith.constant 6 : i32
    %eq3A_322 = vector.broadcast %eq3A_321 : i32 to vector<16xi32>
    %eq3A_323 = arith.cmpi eq, %iota3A_174, %eq3A_322 : vector<16xi32>
    %get3A_324 = arith.constant 6 : i32
    %get3A_325 = arith.index_cast %get3A_324 : i32 to index
    %get3A_326 = arith.constant 0 : index
    %get3A_327 = tpu.vector_load %arg8[%get3A_325, %get3A_326] {strides = array<i32>} : memref<32x16xi32, #tpu.memory_space<vmem>>, vector<1x16xi32>,
    %get3A_328 = vector.shape_cast %get3A_327 : vector<1x16xi32> to vector<16xi32>
    %jit3A_329 = arith.constant 0 : i32
    %broadcast_in_dim3A_330 = vector.broadcast %jit3A_329 : i32 to vector<16xi32>
    %select_n3A_331 = arith.select %eq3A_323, %get3A_328, %broadcast_in_dim3A_330 : vector<16xi1>, vector<16xi32>
    %add3A_332 = arith.addi %add3A_308, %select_n3A_331 : vector<16xi32>
    %eq3A_333 = arith.constant 6 : i32
    %eq3A_334 = vector.broadcast %eq3A_333 : i32 to vector<16xi32>
    %eq3A_335 = arith.cmpi eq, %iota3A_174, %eq3A_334 : vector<16xi32>
    %get3A_336 = arith.constant 22 : i32
    %get3A_337 = arith.index_cast %get3A_336 : i32 to index
    %get3A_338 = arith.constant 0 : index
    %get3A_339 = tpu.vector_load %arg8[%get3A_337, %get3A_338] {strides = array<i32>} : memref<32x16xi32, #tpu.memory_space<vmem>>, vector<1x16xi32>,
    %get3A_340 = vector.shape_cast %get3A_339 : vector<1x16xi32> to vector<16xi32>
    %jit3A_341 = arith.constant 0 : i32
    %broadcast_in_dim3A_342 = vector.broadcast %jit3A_341 : i32 to vector<16xi32>
    %select_n3A_343 = arith.select %eq3A_335, %get3A_340, %broadcast_in_dim3A_342 : vector<16xi1>, vector<16xi32>
    %add3A_344 = arith.addi %add3A_320, %select_n3A_343 : vector<16xi32>
    %eq3A_345 = arith.constant 7 : i32
    %eq3A_346 = vector.broadcast %eq3A_345 : i32 to vector<16xi32>
    %eq3A_347 = arith.cmpi eq, %iota3A_174, %eq3A_346 : vector<16xi32>
    %get3A_348 = arith.constant 7 : i32
    %get3A_349 = arith.index_cast %get3A_348 : i32 to index
    %get3A_350 = arith.constant 0 : index
    %get3A_351 = tpu.vector_load %arg8[%get3A_349, %get3A_350] {strides = array<i32>} : memref<32x16xi32, #tpu.memory_space<vmem>>, vector<1x16xi32>,
    %get3A_352 = vector.shape_cast %get3A_351 : vector<1x16xi32> to vector<16xi32>
    %jit3A_353 = arith.constant 0 : i32
    %broadcast_in_dim3A_354 = vector.broadcast %jit3A_353 : i32 to vector<16xi32>
    %select_n3A_355 = arith.select %eq3A_347, %get3A_352, %broadcast_in_dim3A_354 : vector<16xi1>, vector<16xi32>
    %add3A_356 = arith.addi %add3A_332, %select_n3A_355 : vector<16xi32>
    %eq3A_357 = arith.constant 7 : i32
    %eq3A_358 = vector.broadcast %eq3A_357 : i32 to vector<16xi32>
    %eq3A_359 = arith.cmpi eq, %iota3A_174, %eq3A_358 : vector<16xi32>
    %get3A_360 = arith.constant 23 : i32
    %get3A_361 = arith.index_cast %get3A_360 : i32 to index
    %get3A_362 = arith.constant 0 : index
    %get3A_363 = tpu.vector_load %arg8[%get3A_361, %get3A_362] {strides = array<i32>} : memref<32x16xi32, #tpu.memory_space<vmem>>, vector<1x16xi32>,
    %get3A_364 = vector.shape_cast %get3A_363 : vector<1x16xi32> to vector<16xi32>
    %jit3A_365 = arith.constant 0 : i32
    %broadcast_in_dim3A_366 = vector.broadcast %jit3A_365 : i32 to vector<16xi32>
    %select_n3A_367 = arith.select %eq3A_359, %get3A_364, %broadcast_in_dim3A_366 : vector<16xi1>, vector<16xi32>
    %add3A_368 = arith.addi %add3A_344, %select_n3A_367 : vector<16xi32>
    %eq3A_369 = arith.constant 8 : i32
    %eq3A_370 = vector.broadcast %eq3A_369 : i32 to vector<16xi32>
    %eq3A_371 = arith.cmpi eq, %iota3A_174, %eq3A_370 : vector<16xi32>
    %get3A_372 = arith.constant 8 : i32
    %get3A_373 = arith.index_cast %get3A_372 : i32 to index
    %get3A_374 = arith.constant 0 : index
    %get3A_375 = tpu.vector_load %arg8[%get3A_373, %get3A_374] {strides = array<i32>} : memref<32x16xi32, #tpu.memory_space<vmem>>, vector<1x16xi32>,
    %get3A_376 = vector.shape_cast %get3A_375 : vector<1x16xi32> to vector<16xi32>
    %jit3A_377 = arith.constant 0 : i32
    %broadcast_in_dim3A_378 = vector.broadcast %jit3A_377 : i32 to vector<16xi32>
    %select_n3A_379 = arith.select %eq3A_371, %get3A_376, %broadcast_in_dim3A_378 : vector<16xi1>, vector<16xi32>
    %add3A_380 = arith.addi %add3A_356, %select_n3A_379 : vector<16xi32>
    %eq3A_381 = arith.constant 8 : i32
    %eq3A_382 = vector.broadcast %eq3A_381 : i32 to vector<16xi32>
    %eq3A_383 = arith.cmpi eq, %iota3A_174, %eq3A_382 : vector<16xi32>
    %get3A_384 = arith.constant 24 : i32
    %get3A_385 = arith.index_cast %get3A_384 : i32 to index
    %get3A_386 = arith.constant 0 : index
    %get3A_387 = tpu.vector_load %arg8[%get3A_385, %get3A_386] {strides = array<i32>} : memref<32x16xi32, #tpu.memory_space<vmem>>, vector<1x16xi32>,
    %get3A_388 = vector.shape_cast %get3A_387 : vector<1x16xi32> to vector<16xi32>
    %jit3A_389 = arith.constant 0 : i32
    %broadcast_in_dim3A_390 = vector.broadcast %jit3A_389 : i32 to vector<16xi32>
    %select_n3A_391 = arith.select %eq3A_383, %get3A_388, %broadcast_in_dim3A_390 : vector<16xi1>, vector<16xi32>
    %add3A_392 = arith.addi %add3A_368, %select_n3A_391 : vector<16xi32>
    %eq3A_393 = arith.constant 9 : i32
    %eq3A_394 = vector.broadcast %eq3A_393 : i32 to vector<16xi32>
    %eq3A_395 = arith.cmpi eq, %iota3A_174, %eq3A_394 : vector<16xi32>
    %get3A_396 = arith.constant 9 : i32
    %get3A_397 = arith.index_cast %get3A_396 : i32 to index
    %get3A_398 = arith.constant 0 : index
    %get3A_399 = tpu.vector_load %arg8[%get3A_397, %get3A_398] {strides = array<i32>} : memref<32x16xi32, #tpu.memory_space<vmem>>, vector<1x16xi32>,
    %get3A_400 = vector.shape_cast %get3A_399 : vector<1x16xi32> to vector<16xi32>
    %jit3A_401 = arith.constant 0 : i32
    %broadcast_in_dim3A_402 = vector.broadcast %jit3A_401 : i32 to vector<16xi32>
    %select_n3A_403 = arith.select %eq3A_395, %get3A_400, %broadcast_in_dim3A_402 : vector<16xi1>, vector<16xi32>
    %add3A_404 = arith.addi %add3A_380, %select_n3A_403 : vector<16xi32>
    %eq3A_405 = arith.constant 9 : i32
    %eq3A_406 = vector.broadcast %eq3A_405 : i32 to vector<16xi32>
    %eq3A_407 = arith.cmpi eq, %iota3A_174, %eq3A_406 : vector<16xi32>
    %get3A_408 = arith.constant 25 : i32
    %get3A_409 = arith.index_cast %get3A_408 : i32 to index
    %get3A_410 = arith.constant 0 : index
    %get3A_411 = tpu.vector_load %arg8[%get3A_409, %get3A_410] {strides = array<i32>} : memref<32x16xi32, #tpu.memory_space<vmem>>, vector<1x16xi32>,
    %get3A_412 = vector.shape_cast %get3A_411 : vector<1x16xi32> to vector<16xi32>
    %jit3A_413 = arith.constant 0 : i32
    %broadcast_in_dim3A_414 = vector.broadcast %jit3A_413 : i32 to vector<16xi32>
    %select_n3A_415 = arith.select %eq3A_407, %get3A_412, %broadcast_in_dim3A_414 : vector<16xi1>, vector<16xi32>
    %add3A_416 = arith.addi %add3A_392, %select_n3A_415 : vector<16xi32>
    %eq3A_417 = arith.constant 10 : i32
    %eq3A_418 = vector.broadcast %eq3A_417 : i32 to vector<16xi32>
    %eq3A_419 = arith.cmpi eq, %iota3A_174, %eq3A_418 : vector<16xi32>
    %get3A_420 = arith.constant 10 : i32
    %get3A_421 = arith.index_cast %get3A_420 : i32 to index
    %get3A_422 = arith.constant 0 : index
    %get3A_423 = tpu.vector_load %arg8[%get3A_421, %get3A_422] {strides = array<i32>} : memref<32x16xi32, #tpu.memory_space<vmem>>, vector<1x16xi32>,
    %get3A_424 = vector.shape_cast %get3A_423 : vector<1x16xi32> to vector<16xi32>
    %jit3A_425 = arith.constant 0 : i32
    %broadcast_in_dim3A_426 = vector.broadcast %jit3A_425 : i32 to vector<16xi32>
    %select_n3A_427 = arith.select %eq3A_419, %get3A_424, %broadcast_in_dim3A_426 : vector<16xi1>, vector<16xi32>
    %add3A_428 = arith.addi %add3A_404, %select_n3A_427 : vector<16xi32>
    %eq3A_429 = arith.constant 10 : i32
    %eq3A_430 = vector.broadcast %eq3A_429 : i32 to vector<16xi32>
    %eq3A_431 = arith.cmpi eq, %iota3A_174, %eq3A_430 : vector<16xi32>
    %get3A_432 = arith.constant 26 : i32
    %get3A_433 = arith.index_cast %get3A_432 : i32 to index
    %get3A_434 = arith.constant 0 : index
    %get3A_435 = tpu.vector_load %arg8[%get3A_433, %get3A_434] {strides = array<i32>} : memref<32x16xi32, #tpu.memory_space<vmem>>, vector<1x16xi32>,
    %get3A_436 = vector.shape_cast %get3A_435 : vector<1x16xi32> to vector<16xi32>
    %jit3A_437 = arith.constant 0 : i32
    %broadcast_in_dim3A_438 = vector.broadcast %jit3A_437 : i32 to vector<16xi32>
    %select_n3A_439 = arith.select %eq3A_431, %get3A_436, %broadcast_in_dim3A_438 : vector<16xi1>, vector<16xi32>
    %add3A_440 = arith.addi %add3A_416, %select_n3A_439 : vector<16xi32>
    %eq3A_441 = arith.constant 11 : i32
    %eq3A_442 = vector.broadcast %eq3A_441 : i32 to vector<16xi32>
    %eq3A_443 = arith.cmpi eq, %iota3A_174, %eq3A_442 : vector<16xi32>
    %get3A_444 = arith.constant 11 : i32
    %get3A_445 = arith.index_cast %get3A_444 : i32 to index
    %get3A_446 = arith.constant 0 : index
    %get3A_447 = tpu.vector_load %arg8[%get3A_445, %get3A_446] {strides = array<i32>} : memref<32x16xi32, #tpu.memory_space<vmem>>, vector<1x16xi32>,
    %get3A_448 = vector.shape_cast %get3A_447 : vector<1x16xi32> to vector<16xi32>
    %jit3A_449 = arith.constant 0 : i32
    %broadcast_in_dim3A_450 = vector.broadcast %jit3A_449 : i32 to vector<16xi32>
    %select_n3A_451 = arith.select %eq3A_443, %get3A_448, %broadcast_in_dim3A_450 : vector<16xi1>, vector<16xi32>
    %add3A_452 = arith.addi %add3A_428, %select_n3A_451 : vector<16xi32>
    %eq3A_453 = arith.constant 11 : i32
    %eq3A_454 = vector.broadcast %eq3A_453 : i32 to vector<16xi32>
    %eq3A_455 = arith.cmpi eq, %iota3A_174, %eq3A_454 : vector<16xi32>
    %get3A_456 = arith.constant 27 : i32
    %get3A_457 = arith.index_cast %get3A_456 : i32 to index
    %get3A_458 = arith.constant 0 : index
    %get3A_459 = tpu.vector_load %arg8[%get3A_457, %get3A_458] {strides = array<i32>} : memref<32x16xi32, #tpu.memory_space<vmem>>, vector<1x16xi32>,
    %get3A_460 = vector.shape_cast %get3A_459 : vector<1x16xi32> to vector<16xi32>
    %jit3A_461 = arith.constant 0 : i32
    %broadcast_in_dim3A_462 = vector.broadcast %jit3A_461 : i32 to vector<16xi32>
    %select_n3A_463 = arith.select %eq3A_455, %get3A_460, %broadcast_in_dim3A_462 : vector<16xi1>, vector<16xi32>
    %add3A_464 = arith.addi %add3A_440, %select_n3A_463 : vector<16xi32>
    %eq3A_465 = arith.constant 12 : i32
    %eq3A_466 = vector.broadcast %eq3A_465 : i32 to vector<16xi32>
    %eq3A_467 = arith.cmpi eq, %iota3A_174, %eq3A_466 : vector<16xi32>
    %get3A_468 = arith.constant 12 : i32
    %get3A_469 = arith.index_cast %get3A_468 : i32 to index
    %get3A_470 = arith.constant 0 : index
    %get3A_471 = tpu.vector_load %arg8[%get3A_469, %get3A_470] {strides = array<i32>} : memref<32x16xi32, #tpu.memory_space<vmem>>, vector<1x16xi32>,
    %get3A_472 = vector.shape_cast %get3A_471 : vector<1x16xi32> to vector<16xi32>
    %jit3A_473 = arith.constant 0 : i32
    %broadcast_in_dim3A_474 = vector.broadcast %jit3A_473 : i32 to vector<16xi32>
    %select_n3A_475 = arith.select %eq3A_467, %get3A_472, %broadcast_in_dim3A_474 : vector<16xi1>, vector<16xi32>
    %add3A_476 = arith.addi %add3A_452, %select_n3A_475 : vector<16xi32>
    %eq3A_477 = arith.constant 12 : i32
    %eq3A_478 = vector.broadcast %eq3A_477 : i32 to vector<16xi32>
    %eq3A_479 = arith.cmpi eq, %iota3A_174, %eq3A_478 : vector<16xi32>
    %get3A_480 = arith.constant 28 : i32
    %get3A_481 = arith.index_cast %get3A_480 : i32 to index
    %get3A_482 = arith.constant 0 : index
    %get3A_483 = tpu.vector_load %arg8[%get3A_481, %get3A_482] {strides = array<i32>} : memref<32x16xi32, #tpu.memory_space<vmem>>, vector<1x16xi32>,
    %get3A_484 = vector.shape_cast %get3A_483 : vector<1x16xi32> to vector<16xi32>
    %jit3A_485 = arith.constant 0 : i32
    %broadcast_in_dim3A_486 = vector.broadcast %jit3A_485 : i32 to vector<16xi32>
    %select_n3A_487 = arith.select %eq3A_479, %get3A_484, %broadcast_in_dim3A_486 : vector<16xi1>, vector<16xi32>
    %add3A_488 = arith.addi %add3A_464, %select_n3A_487 : vector<16xi32>
    %eq3A_489 = arith.constant 13 : i32
    %eq3A_490 = vector.broadcast %eq3A_489 : i32 to vector<16xi32>
    %eq3A_491 = arith.cmpi eq, %iota3A_174, %eq3A_490 : vector<16xi32>
    %get3A_492 = arith.constant 13 : i32
    %get3A_493 = arith.index_cast %get3A_492 : i32 to index
    %get3A_494 = arith.constant 0 : index
    %get3A_495 = tpu.vector_load %arg8[%get3A_493, %get3A_494] {strides = array<i32>} : memref<32x16xi32, #tpu.memory_space<vmem>>, vector<1x16xi32>,
    %get3A_496 = vector.shape_cast %get3A_495 : vector<1x16xi32> to vector<16xi32>
    %jit3A_497 = arith.constant 0 : i32
    %broadcast_in_dim3A_498 = vector.broadcast %jit3A_497 : i32 to vector<16xi32>
    %select_n3A_499 = arith.select %eq3A_491, %get3A_496, %broadcast_in_dim3A_498 : vector<16xi1>, vector<16xi32>
    %add3A_500 = arith.addi %add3A_476, %select_n3A_499 : vector<16xi32>
    %eq3A_501 = arith.constant 13 : i32
    %eq3A_502 = vector.broadcast %eq3A_501 : i32 to vector<16xi32>
    %eq3A_503 = arith.cmpi eq, %iota3A_174, %eq3A_502 : vector<16xi32>
    %get3A_504 = arith.constant 29 : i32
    %get3A_505 = arith.index_cast %get3A_504 : i32 to index
    %get3A_506 = arith.constant 0 : index
    %get3A_507 = tpu.vector_load %arg8[%get3A_505, %get3A_506] {strides = array<i32>} : memref<32x16xi32, #tpu.memory_space<vmem>>, vector<1x16xi32>,
    %get3A_508 = vector.shape_cast %get3A_507 : vector<1x16xi32> to vector<16xi32>
    %jit3A_509 = arith.constant 0 : i32
    %broadcast_in_dim3A_510 = vector.broadcast %jit3A_509 : i32 to vector<16xi32>
    %select_n3A_511 = arith.select %eq3A_503, %get3A_508, %broadcast_in_dim3A_510 : vector<16xi1>, vector<16xi32>
    %add3A_512 = arith.addi %add3A_488, %select_n3A_511 : vector<16xi32>
    %eq3A_513 = arith.constant 14 : i32
    %eq3A_514 = vector.broadcast %eq3A_513 : i32 to vector<16xi32>
    %eq3A_515 = arith.cmpi eq, %iota3A_174, %eq3A_514 : vector<16xi32>
    %get3A_516 = arith.constant 14 : i32
    %get3A_517 = arith.index_cast %get3A_516 : i32 to index
    %get3A_518 = arith.constant 0 : index
    %get3A_519 = tpu.vector_load %arg8[%get3A_517, %get3A_518] {strides = array<i32>} : memref<32x16xi32, #tpu.memory_space<vmem>>, vector<1x16xi32>,
    %get3A_520 = vector.shape_cast %get3A_519 : vector<1x16xi32> to vector<16xi32>
    %jit3A_521 = arith.constant 0 : i32
    %broadcast_in_dim3A_522 = vector.broadcast %jit3A_521 : i32 to vector<16xi32>
    %select_n3A_523 = arith.select %eq3A_515, %get3A_520, %broadcast_in_dim3A_522 : vector<16xi1>, vector<16xi32>
    %add3A_524 = arith.addi %add3A_500, %select_n3A_523 : vector<16xi32>
    %eq3A_525 = arith.constant 14 : i32
    %eq3A_526 = vector.broadcast %eq3A_525 : i32 to vector<16xi32>
    %eq3A_527 = arith.cmpi eq, %iota3A_174, %eq3A_526 : vector<16xi32>
    %get3A_528 = arith.constant 30 : i32
    %get3A_529 = arith.index_cast %get3A_528 : i32 to index
    %get3A_530 = arith.constant 0 : index
    %get3A_531 = tpu.vector_load %arg8[%get3A_529, %get3A_530] {strides = array<i32>} : memref<32x16xi32, #tpu.memory_space<vmem>>, vector<1x16xi32>,
    %get3A_532 = vector.shape_cast %get3A_531 : vector<1x16xi32> to vector<16xi32>
    %jit3A_533 = arith.constant 0 : i32
    %broadcast_in_dim3A_534 = vector.broadcast %jit3A_533 : i32 to vector<16xi32>
    %select_n3A_535 = arith.select %eq3A_527, %get3A_532, %broadcast_in_dim3A_534 : vector<16xi1>, vector<16xi32>
    %add3A_536 = arith.addi %add3A_512, %select_n3A_535 : vector<16xi32>
    %eq3A_537 = arith.constant 15 : i32
    %eq3A_538 = vector.broadcast %eq3A_537 : i32 to vector<16xi32>
    %eq3A_539 = arith.cmpi eq, %iota3A_174, %eq3A_538 : vector<16xi32>
    %get3A_540 = arith.constant 15 : i32
    %get3A_541 = arith.index_cast %get3A_540 : i32 to index
    %get3A_542 = arith.constant 0 : index
    %get3A_543 = tpu.vector_load %arg8[%get3A_541, %get3A_542] {strides = array<i32>} : memref<32x16xi32, #tpu.memory_space<vmem>>, vector<1x16xi32>,
    %get3A_544 = vector.shape_cast %get3A_543 : vector<1x16xi32> to vector<16xi32>
    %jit3A_545 = arith.constant 0 : i32
    %broadcast_in_dim3A_546 = vector.broadcast %jit3A_545 : i32 to vector<16xi32>
    %select_n3A_547 = arith.select %eq3A_539, %get3A_544, %broadcast_in_dim3A_546 : vector<16xi1>, vector<16xi32>
    %add3A_548 = arith.addi %add3A_524, %select_n3A_547 : vector<16xi32>
    %eq3A_549 = arith.constant 15 : i32
    %eq3A_550 = vector.broadcast %eq3A_549 : i32 to vector<16xi32>
    %eq3A_551 = arith.cmpi eq, %iota3A_174, %eq3A_550 : vector<16xi32>
    %get3A_552 = arith.constant 31 : i32
    %get3A_553 = arith.index_cast %get3A_552 : i32 to index
    %get3A_554 = arith.constant 0 : index
    %get3A_555 = tpu.vector_load %arg8[%get3A_553, %get3A_554] {strides = array<i32>} : memref<32x16xi32, #tpu.memory_space<vmem>>, vector<1x16xi32>,
    %get3A_556 = vector.shape_cast %get3A_555 : vector<1x16xi32> to vector<16xi32>
    %jit3A_557 = arith.constant 0 : i32
    %broadcast_in_dim3A_558 = vector.broadcast %jit3A_557 : i32 to vector<16xi32>
    %select_n3A_559 = arith.select %eq3A_551, %get3A_556, %broadcast_in_dim3A_558 : vector<16xi1>, vector<16xi32>
    %add3A_560 = arith.addi %add3A_536, %select_n3A_559 : vector<16xi32>
    %lt3A = vector.broadcast %arg1 : i32 to vector<16xi32>
    %lt3A_561 = arith.cmpi slt, %iota3A_174, %lt3A : vector<16xi32>
    %jit3A_562 = arith.constant 0 : i32
    %broadcast_in_dim3A_563 = vector.broadcast %jit3A_562 : i32 to vector<16xi32>
    %select_n3A_564 = arith.select %lt3A_561, %add3A_548, %broadcast_in_dim3A_563 : vector<16xi1>, vector<16xi32>
    %iota3A_565 = tpu.iota {dimensions = array<i32: 0>} : vector<16xi32>
    %sub3A_566 = arith.constant 1 : i32
    %sub3A_567 = vector.broadcast %sub3A_566 : i32 to vector<16xi32>
    %sub3A_568 = arith.subi %iota3A_565, %sub3A_567 : vector<16xi32>
    %max3A_569 = arith.constant 0 : i32
    %max3A_570 = vector.broadcast %max3A_569 : i32 to vector<16xi32>
    %max3A_571 = arith.maxsi %sub3A_568, %max3A_570 : vector<16xi32>
    %broadcast_in_dim3A_572 = vector.shape_cast %max3A_571 : vector<16xi32> to vector<16x1xi32>
    %gather3A_573 = vector.shape_cast %broadcast_in_dim3A_572 : vector<16x1xi32> to vector<16xi32>
    %gather3A_574 = tpu.dynamic_gather %select_n3A_564[%gather3A_573] in [0] : vector<16xi32>, vector<16xi32> -> vector<16xi32>
    %ge3A_575 = arith.constant 1 : i32
    %ge3A_576 = vector.broadcast %ge3A_575 : i32 to vector<16xi32>
    %ge3A_577 = arith.cmpi sge, %iota3A_565, %ge3A_576 : vector<16xi32>
    %jit3A_578 = arith.constant 0 : i32
    %broadcast_in_dim3A_579 = vector.broadcast %jit3A_578 : i32 to vector<16xi32>
    %select_n3A_580 = arith.select %ge3A_577, %gather3A_574, %broadcast_in_dim3A_579 : vector<16xi1>, vector<16xi32>
    %add3A_581 = arith.addi %select_n3A_564, %select_n3A_580 : vector<16xi32>
    %sub3A_582 = arith.constant 2 : i32
    %sub3A_583 = vector.broadcast %sub3A_582 : i32 to vector<16xi32>
    %sub3A_584 = arith.subi %iota3A_565, %sub3A_583 : vector<16xi32>
    %max3A_585 = arith.constant 0 : i32
    %max3A_586 = vector.broadcast %max3A_585 : i32 to vector<16xi32>
    %max3A_587 = arith.maxsi %sub3A_584, %max3A_586 : vector<16xi32>
    %broadcast_in_dim3A_588 = vector.shape_cast %max3A_587 : vector<16xi32> to vector<16x1xi32>
    %gather3A_589 = vector.shape_cast %broadcast_in_dim3A_588 : vector<16x1xi32> to vector<16xi32>
    %gather3A_590 = tpu.dynamic_gather %add3A_581[%gather3A_589] in [0] : vector<16xi32>, vector<16xi32> -> vector<16xi32>
    %ge3A_591 = arith.constant 2 : i32
    %ge3A_592 = vector.broadcast %ge3A_591 : i32 to vector<16xi32>
    %ge3A_593 = arith.cmpi sge, %iota3A_565, %ge3A_592 : vector<16xi32>
    %jit3A_594 = arith.constant 0 : i32
    %broadcast_in_dim3A_595 = vector.broadcast %jit3A_594 : i32 to vector<16xi32>
    %select_n3A_596 = arith.select %ge3A_593, %gather3A_590, %broadcast_in_dim3A_595 : vector<16xi1>, vector<16xi32>
    %add3A_597 = arith.addi %add3A_581, %select_n3A_596 : vector<16xi32>
    %sub3A_598 = arith.constant 4 : i32
    %sub3A_599 = vector.broadcast %sub3A_598 : i32 to vector<16xi32>
    %sub3A_600 = arith.subi %iota3A_565, %sub3A_599 : vector<16xi32>
    %max3A_601 = arith.constant 0 : i32
    %max3A_602 = vector.broadcast %max3A_601 : i32 to vector<16xi32>
    %max3A_603 = arith.maxsi %sub3A_600, %max3A_602 : vector<16xi32>
    %broadcast_in_dim3A_604 = vector.shape_cast %max3A_603 : vector<16xi32> to vector<16x1xi32>
    %gather3A_605 = vector.shape_cast %broadcast_in_dim3A_604 : vector<16x1xi32> to vector<16xi32>
    %gather3A_606 = tpu.dynamic_gather %add3A_597[%gather3A_605] in [0] : vector<16xi32>, vector<16xi32> -> vector<16xi32>
    %ge3A_607 = arith.constant 4 : i32
    %ge3A_608 = vector.broadcast %ge3A_607 : i32 to vector<16xi32>
    %ge3A_609 = arith.cmpi sge, %iota3A_565, %ge3A_608 : vector<16xi32>
    %jit3A_610 = arith.constant 0 : i32
    %broadcast_in_dim3A_611 = vector.broadcast %jit3A_610 : i32 to vector<16xi32>
    %select_n3A_612 = arith.select %ge3A_609, %gather3A_606, %broadcast_in_dim3A_611 : vector<16xi1>, vector<16xi32>
    %add3A_613 = arith.addi %add3A_597, %select_n3A_612 : vector<16xi32>
    %sub3A_614 = arith.constant 8 : i32
    %sub3A_615 = vector.broadcast %sub3A_614 : i32 to vector<16xi32>
    %sub3A_616 = arith.subi %iota3A_565, %sub3A_615 : vector<16xi32>
    %max3A_617 = arith.constant 0 : i32
    %max3A_618 = vector.broadcast %max3A_617 : i32 to vector<16xi32>
    %max3A_619 = arith.maxsi %sub3A_616, %max3A_618 : vector<16xi32>
    %broadcast_in_dim3A_620 = vector.shape_cast %max3A_619 : vector<16xi32> to vector<16x1xi32>
    %gather3A_621 = vector.shape_cast %broadcast_in_dim3A_620 : vector<16x1xi32> to vector<16xi32>
    %gather3A_622 = tpu.dynamic_gather %add3A_613[%gather3A_621] in [0] : vector<16xi32>, vector<16xi32> -> vector<16xi32>
    %ge3A_623 = arith.constant 8 : i32
    %ge3A_624 = vector.broadcast %ge3A_623 : i32 to vector<16xi32>
    %ge3A_625 = arith.cmpi sge, %iota3A_565, %ge3A_624 : vector<16xi32>
    %jit3A_626 = arith.constant 0 : i32
    %broadcast_in_dim3A_627 = vector.broadcast %jit3A_626 : i32 to vector<16xi32>
    %select_n3A_628 = arith.select %ge3A_625, %gather3A_622, %broadcast_in_dim3A_627 : vector<16xi1>, vector<16xi32>
    %add3A_629 = arith.addi %add3A_613, %select_n3A_628 : vector<16xi32>
    %slice3A = vector.extract_strided_slice %add3A_629 {offsets = [15], sizes = [1], strides = [1]} : vector<16xi32> to vector<1xi32>
    %squeeze3A = vector.extract %slice3A[0] : i32 from vector<1xi32>
    %jit3A_630 = arith.constant 0 : i32
    %broadcast_in_dim3A_631 = vector.broadcast %jit3A_630 : i32 to vector<16xi32>
    %select_n3A_632 = arith.select %lt3A_561, %add3A_560, %broadcast_in_dim3A_631 : vector<16xi1>, vector<16xi32>
    %iota3A_633 = tpu.iota {dimensions = array<i32: 0>} : vector<16xi32>
    %sub3A_634 = arith.constant 1 : i32
    %sub3A_635 = vector.broadcast %sub3A_634 : i32 to vector<16xi32>
    %sub3A_636 = arith.subi %iota3A_633, %sub3A_635 : vector<16xi32>
    %max3A_637 = arith.constant 0 : i32
    %max3A_638 = vector.broadcast %max3A_637 : i32 to vector<16xi32>
    %max3A_639 = arith.maxsi %sub3A_636, %max3A_638 : vector<16xi32>
    %broadcast_in_dim3A_640 = vector.shape_cast %max3A_639 : vector<16xi32> to vector<16x1xi32>
    %gather3A_641 = vector.shape_cast %broadcast_in_dim3A_640 : vector<16x1xi32> to vector<16xi32>
    %gather3A_642 = tpu.dynamic_gather %select_n3A_632[%gather3A_641] in [0] : vector<16xi32>, vector<16xi32> -> vector<16xi32>
    %ge3A_643 = arith.constant 1 : i32
    %ge3A_644 = vector.broadcast %ge3A_643 : i32 to vector<16xi32>
    %ge3A_645 = arith.cmpi sge, %iota3A_633, %ge3A_644 : vector<16xi32>
    %jit3A_646 = arith.constant 0 : i32
    %broadcast_in_dim3A_647 = vector.broadcast %jit3A_646 : i32 to vector<16xi32>
    %select_n3A_648 = arith.select %ge3A_645, %gather3A_642, %broadcast_in_dim3A_647 : vector<16xi1>, vector<16xi32>
    %add3A_649 = arith.addi %select_n3A_632, %select_n3A_648 : vector<16xi32>
    %sub3A_650 = arith.constant 2 : i32
    %sub3A_651 = vector.broadcast %sub3A_650 : i32 to vector<16xi32>
    %sub3A_652 = arith.subi %iota3A_633, %sub3A_651 : vector<16xi32>
    %max3A_653 = arith.constant 0 : i32
    %max3A_654 = vector.broadcast %max3A_653 : i32 to vector<16xi32>
    %max3A_655 = arith.maxsi %sub3A_652, %max3A_654 : vector<16xi32>
    %broadcast_in_dim3A_656 = vector.shape_cast %max3A_655 : vector<16xi32> to vector<16x1xi32>
    %gather3A_657 = vector.shape_cast %broadcast_in_dim3A_656 : vector<16x1xi32> to vector<16xi32>
    %gather3A_658 = tpu.dynamic_gather %add3A_649[%gather3A_657] in [0] : vector<16xi32>, vector<16xi32> -> vector<16xi32>
    %ge3A_659 = arith.constant 2 : i32
    %ge3A_660 = vector.broadcast %ge3A_659 : i32 to vector<16xi32>
    %ge3A_661 = arith.cmpi sge, %iota3A_633, %ge3A_660 : vector<16xi32>
    %jit3A_662 = arith.constant 0 : i32
    %broadcast_in_dim3A_663 = vector.broadcast %jit3A_662 : i32 to vector<16xi32>
    %select_n3A_664 = arith.select %ge3A_661, %gather3A_658, %broadcast_in_dim3A_663 : vector<16xi1>, vector<16xi32>
    %add3A_665 = arith.addi %add3A_649, %select_n3A_664 : vector<16xi32>
    %sub3A_666 = arith.constant 4 : i32
    %sub3A_667 = vector.broadcast %sub3A_666 : i32 to vector<16xi32>
    %sub3A_668 = arith.subi %iota3A_633, %sub3A_667 : vector<16xi32>
    %max3A_669 = arith.constant 0 : i32
    %max3A_670 = vector.broadcast %max3A_669 : i32 to vector<16xi32>
    %max3A_671 = arith.maxsi %sub3A_668, %max3A_670 : vector<16xi32>
    %broadcast_in_dim3A_672 = vector.shape_cast %max3A_671 : vector<16xi32> to vector<16x1xi32>
    %gather3A_673 = vector.shape_cast %broadcast_in_dim3A_672 : vector<16x1xi32> to vector<16xi32>
    %gather3A_674 = tpu.dynamic_gather %add3A_665[%gather3A_673] in [0] : vector<16xi32>, vector<16xi32> -> vector<16xi32>
    %ge3A_675 = arith.constant 4 : i32
    %ge3A_676 = vector.broadcast %ge3A_675 : i32 to vector<16xi32>
    %ge3A_677 = arith.cmpi sge, %iota3A_633, %ge3A_676 : vector<16xi32>
    %jit3A_678 = arith.constant 0 : i32
    %broadcast_in_dim3A_679 = vector.broadcast %jit3A_678 : i32 to vector<16xi32>
    %select_n3A_680 = arith.select %ge3A_677, %gather3A_674, %broadcast_in_dim3A_679 : vector<16xi1>, vector<16xi32>
    %add3A_681 = arith.addi %add3A_665, %select_n3A_680 : vector<16xi32>
    %sub3A_682 = arith.constant 8 : i32
    %sub3A_683 = vector.broadcast %sub3A_682 : i32 to vector<16xi32>
    %sub3A_684 = arith.subi %iota3A_633, %sub3A_683 : vector<16xi32>
    %max3A_685 = arith.constant 0 : i32
    %max3A_686 = vector.broadcast %max3A_685 : i32 to vector<16xi32>
    %max3A_687 = arith.maxsi %sub3A_684, %max3A_686 : vector<16xi32>
    %broadcast_in_dim3A_688 = vector.shape_cast %max3A_687 : vector<16xi32> to vector<16x1xi32>
    %gather3A_689 = vector.shape_cast %broadcast_in_dim3A_688 : vector<16x1xi32> to vector<16xi32>
    %gather3A_690 = tpu.dynamic_gather %add3A_681[%gather3A_689] in [0] : vector<16xi32>, vector<16xi32> -> vector<16xi32>
    %ge3A_691 = arith.constant 8 : i32
    %ge3A_692 = vector.broadcast %ge3A_691 : i32 to vector<16xi32>
    %ge3A_693 = arith.cmpi sge, %iota3A_633, %ge3A_692 : vector<16xi32>
    %jit3A_694 = arith.constant 0 : i32
    %broadcast_in_dim3A_695 = vector.broadcast %jit3A_694 : i32 to vector<16xi32>
    %select_n3A_696 = arith.select %ge3A_693, %gather3A_690, %broadcast_in_dim3A_695 : vector<16xi1>, vector<16xi32>
    %add3A_697 = arith.addi %add3A_681, %select_n3A_696 : vector<16xi32>
    %slice3A_698 = vector.extract_strided_slice %add3A_697 {offsets = [15], sizes = [1], strides = [1]} : vector<16xi32> to vector<1xi32>
    %squeeze3A_699 = vector.extract %slice3A_698[0] : i32 from vector<1xi32>
    %scan3A_700 = arith.constant 0 : i32
    %scan3A_701 = arith.constant 32 : i32
    %scan3A_702 = arith.addi %scan3A_700, %scan3A_701 : i32
    %scan3A_703 = arith.constant 1 : i32
    %scan3A_704 = scf.for %scan3A_790 = %scan3A_700 to %scan3A_702 step %scan3A_703 iter_args(%scan3A_791 = %squeeze3A) -> (i32)  : i32 {
      %mul3A_792 = arith.constant 16 : i32
      %mul3A_793 = arith.muli %scan3A_790, %mul3A_792 : i32
      %get3A_794 = arith.index_cast %mul3A_793 : i32 to index
      %get3A_795 = tpu.vector_load %arg5[%get3A_794] {strides = array<i32>} : memref<1024xi32, #tpu.memory_space<vmem>>, vector<16xi32>,
      %get3A_796 = vector.shape_cast %get3A_795 : vector<16xi32> to vector<16xi32>
      %ne3A = arith.constant 1 : i32
      %ne3A_797 = vector.broadcast %ne3A : i32 to vector<16xi32>
      %ne3A_798 = arith.cmpi ne, %get3A_796, %ne3A_797 : vector<16xi32>
      %jit3A_799 = arith.constant 1 : i32
      %jit3A_800 = arith.constant 0 : i32
      %broadcast_in_dim3A_801 = vector.broadcast %jit3A_799 : i32 to vector<16xi32>
      %broadcast_in_dim3A_802 = vector.broadcast %jit3A_800 : i32 to vector<16xi32>
      %select_n3A_803 = arith.select %ne3A_798, %broadcast_in_dim3A_801, %broadcast_in_dim3A_802 : vector<16xi1>, vector<16xi32>
      %iota3A_804 = tpu.iota {dimensions = array<i32: 0>} : vector<16xi32>
      %sub3A_805 = arith.constant 1 : i32
      %sub3A_806 = vector.broadcast %sub3A_805 : i32 to vector<16xi32>
      %sub3A_807 = arith.subi %iota3A_804, %sub3A_806 : vector<16xi32>
      %max3A_808 = arith.constant 0 : i32
      %max3A_809 = vector.broadcast %max3A_808 : i32 to vector<16xi32>
      %max3A_810 = arith.maxsi %sub3A_807, %max3A_809 : vector<16xi32>
      %broadcast_in_dim3A_811 = vector.shape_cast %max3A_810 : vector<16xi32> to vector<16x1xi32>
      %gather3A_812 = vector.shape_cast %broadcast_in_dim3A_811 : vector<16x1xi32> to vector<16xi32>
      %gather3A_813 = tpu.dynamic_gather %select_n3A_803[%gather3A_812] in [0] : vector<16xi32>, vector<16xi32> -> vector<16xi32>
      %ge3A_814 = arith.constant 1 : i32
      %ge3A_815 = vector.broadcast %ge3A_814 : i32 to vector<16xi32>
      %ge3A_816 = arith.cmpi sge, %iota3A_804, %ge3A_815 : vector<16xi32>
      %jit3A_817 = arith.constant 0 : i32
      %broadcast_in_dim3A_818 = vector.broadcast %jit3A_817 : i32 to vector<16xi32>
      %select_n3A_819 = arith.select %ge3A_816, %gather3A_813, %broadcast_in_dim3A_818 : vector<16xi1>, vector<16xi32>
      %add3A_820 = arith.addi %select_n3A_803, %select_n3A_819 : vector<16xi32>
      %sub3A_821 = arith.constant 2 : i32
      %sub3A_822 = vector.broadcast %sub3A_821 : i32 to vector<16xi32>
      %sub3A_823 = arith.subi %iota3A_804, %sub3A_822 : vector<16xi32>
      %max3A_824 = arith.constant 0 : i32
      %max3A_825 = vector.broadcast %max3A_824 : i32 to vector<16xi32>
      %max3A_826 = arith.maxsi %sub3A_823, %max3A_825 : vector<16xi32>
      %broadcast_in_dim3A_827 = vector.shape_cast %max3A_826 : vector<16xi32> to vector<16x1xi32>
      %gather3A_828 = vector.shape_cast %broadcast_in_dim3A_827 : vector<16x1xi32> to vector<16xi32>
      %gather3A_829 = tpu.dynamic_gather %add3A_820[%gather3A_828] in [0] : vector<16xi32>, vector<16xi32> -> vector<16xi32>
      %ge3A_830 = arith.constant 2 : i32
      %ge3A_831 = vector.broadcast %ge3A_830 : i32 to vector<16xi32>
      %ge3A_832 = arith.cmpi sge, %iota3A_804, %ge3A_831 : vector<16xi32>
      %jit3A_833 = arith.constant 0 : i32
      %broadcast_in_dim3A_834 = vector.broadcast %jit3A_833 : i32 to vector<16xi32>
      %select_n3A_835 = arith.select %ge3A_832, %gather3A_829, %broadcast_in_dim3A_834 : vector<16xi1>, vector<16xi32>
      %add3A_836 = arith.addi %add3A_820, %select_n3A_835 : vector<16xi32>
      %sub3A_837 = arith.constant 4 : i32
      %sub3A_838 = vector.broadcast %sub3A_837 : i32 to vector<16xi32>
      %sub3A_839 = arith.subi %iota3A_804, %sub3A_838 : vector<16xi32>
      %max3A_840 = arith.constant 0 : i32
      %max3A_841 = vector.broadcast %max3A_840 : i32 to vector<16xi32>
      %max3A_842 = arith.maxsi %sub3A_839, %max3A_841 : vector<16xi32>
      %broadcast_in_dim3A_843 = vector.shape_cast %max3A_842 : vector<16xi32> to vector<16x1xi32>
      %gather3A_844 = vector.shape_cast %broadcast_in_dim3A_843 : vector<16x1xi32> to vector<16xi32>
      %gather3A_845 = tpu.dynamic_gather %add3A_836[%gather3A_844] in [0] : vector<16xi32>, vector<16xi32> -> vector<16xi32>
      %ge3A_846 = arith.constant 4 : i32
      %ge3A_847 = vector.broadcast %ge3A_846 : i32 to vector<16xi32>
      %ge3A_848 = arith.cmpi sge, %iota3A_804, %ge3A_847 : vector<16xi32>
      %jit3A_849 = arith.constant 0 : i32
      %broadcast_in_dim3A_850 = vector.broadcast %jit3A_849 : i32 to vector<16xi32>
      %select_n3A_851 = arith.select %ge3A_848, %gather3A_845, %broadcast_in_dim3A_850 : vector<16xi1>, vector<16xi32>
      %add3A_852 = arith.addi %add3A_836, %select_n3A_851 : vector<16xi32>
      %sub3A_853 = arith.constant 8 : i32
      %sub3A_854 = vector.broadcast %sub3A_853 : i32 to vector<16xi32>
      %sub3A_855 = arith.subi %iota3A_804, %sub3A_854 : vector<16xi32>
      %max3A_856 = arith.constant 0 : i32
      %max3A_857 = vector.broadcast %max3A_856 : i32 to vector<16xi32>
      %max3A_858 = arith.maxsi %sub3A_855, %max3A_857 : vector<16xi32>
      %broadcast_in_dim3A_859 = vector.shape_cast %max3A_858 : vector<16xi32> to vector<16x1xi32>
      %gather3A_860 = vector.shape_cast %broadcast_in_dim3A_859 : vector<16x1xi32> to vector<16xi32>
      %gather3A_861 = tpu.dynamic_gather %add3A_852[%gather3A_860] in [0] : vector<16xi32>, vector<16xi32> -> vector<16xi32>
      %ge3A_862 = arith.constant 8 : i32
      %ge3A_863 = vector.broadcast %ge3A_862 : i32 to vector<16xi32>
      %ge3A_864 = arith.cmpi sge, %iota3A_804, %ge3A_863 : vector<16xi32>
      %jit3A_865 = arith.constant 0 : i32
      %broadcast_in_dim3A_866 = vector.broadcast %jit3A_865 : i32 to vector<16xi32>
      %select_n3A_867 = arith.select %ge3A_864, %gather3A_861, %broadcast_in_dim3A_866 : vector<16xi1>, vector<16xi32>
      %add3A_868 = arith.addi %add3A_852, %select_n3A_867 : vector<16xi32>
      %add3A_869 = vector.broadcast %scan3A_791 : i32 to vector<16xi32>
      %add3A_870 = arith.addi %add3A_868, %add3A_869 : vector<16xi32>
      %mul3A_871 = arith.muli %add3A_870, %select_n3A_803 : vector<16xi32>
      %add3A_872 = arith.constant 1 : i32
      %add3A_873 = vector.broadcast %add3A_872 : i32 to vector<16xi32>
      %add3A_874 = arith.addi %mul3A_871, %add3A_873 : vector<16xi32>
      %mul3A_875 = arith.constant 16 : i32
      %mul3A_876 = arith.muli %scan3A_790, %mul3A_875 : i32
      %swap3A_877 = arith.index_cast %mul3A_876 : i32 to index
      %swap3A_878 = tpu.vector_load %arg6[%swap3A_877] {strides = array<i32>} : memref<1024xi32, #tpu.memory_space<vmem>>, vector<16xi32>,
      %swap3A_879 = vector.shape_cast %swap3A_878 : vector<16xi32> to vector<16xi32>
      %swap3A_880 = vector.shape_cast %add3A_874 : vector<16xi32> to vector<16xi32>
      tpu.vector_store %arg6[%swap3A_877], %swap3A_880 {strides = array<i32>} : memref<1024xi32, #tpu.memory_space<vmem>>, vector<16xi32>,
      %slice3A_881 = vector.extract_strided_slice %add3A_868 {offsets = [15], sizes = [1], strides = [1]} : vector<16xi32> to vector<1xi32>
      %squeeze3A_882 = vector.extract %slice3A_881[0] : i32 from vector<1xi32>
      %eq3A_883 = arith.constant 16 : i32
      %eq3A_884 = arith.cmpi eq, %squeeze3A_882, %eq3A_883 : i32
      %convert_element_type3A_885 = arith.extui %eq3A_884 : i1 to i32
      %swap3A_886 = arith.index_cast %scan3A_790 : i32 to index
      %swap3A_887 = memref.load %arg10[%swap3A_886] : memref<64xi32, #tpu.memory_space<smem>>
      memref.store %convert_element_type3A_885, %arg10[%swap3A_886] : memref<64xi32, #tpu.memory_space<smem>>
      %add3A_888 = arith.constant 1 : i32
      %add3A_889 = arith.addi %scan3A_791, %add3A_888 : i32
      %add3A_890 = arith.constant 1 : i32
      %add3A_891 = arith.addi %add3A_889, %add3A_890 : i32
      %swap3A_892 = arith.index_cast %scan3A_790 : i32 to index
      %swap3A_893 = memref.load %arg11[%swap3A_892] : memref<64xi32, #tpu.memory_space<smem>>
      memref.store %add3A_891, %arg11[%swap3A_892] : memref<64xi32, #tpu.memory_space<smem>>
      %add3A_894 = arith.addi %scan3A_791, %squeeze3A_882 : i32
      scf.yield %add3A_894 : i32
    }
    %scan3A_705 = arith.constant 32 : i32
    %scan3A_706 = arith.constant 32 : i32
    %scan3A_707 = arith.constant 32 : i32
    %scan3A_708 = arith.addi %scan3A_706, %scan3A_707 : i32
    %scan3A_709 = arith.constant 1 : i32
    %scan3A_710 = scf.for %scan3A_790 = %scan3A_706 to %scan3A_708 step %scan3A_709 iter_args(%scan3A_791 = %squeeze3A_699) -> (i32)  : i32 {
      %mul3A_792 = arith.constant 16 : i32
      %mul3A_793 = arith.muli %scan3A_790, %mul3A_792 : i32
      %get3A_794 = arith.index_cast %mul3A_793 : i32 to index
      %get3A_795 = tpu.vector_load %arg5[%get3A_794] {strides = array<i32>} : memref<1024xi32, #tpu.memory_space<vmem>>, vector<16xi32>,
      %get3A_796 = vector.shape_cast %get3A_795 : vector<16xi32> to vector<16xi32>
      %ne3A = arith.constant 1 : i32
      %ne3A_797 = vector.broadcast %ne3A : i32 to vector<16xi32>
      %ne3A_798 = arith.cmpi ne, %get3A_796, %ne3A_797 : vector<16xi32>
      %jit3A_799 = arith.constant 1 : i32
      %jit3A_800 = arith.constant 0 : i32
      %broadcast_in_dim3A_801 = vector.broadcast %jit3A_799 : i32 to vector<16xi32>
      %broadcast_in_dim3A_802 = vector.broadcast %jit3A_800 : i32 to vector<16xi32>
      %select_n3A_803 = arith.select %ne3A_798, %broadcast_in_dim3A_801, %broadcast_in_dim3A_802 : vector<16xi1>, vector<16xi32>
      %iota3A_804 = tpu.iota {dimensions = array<i32: 0>} : vector<16xi32>
      %sub3A_805 = arith.constant 1 : i32
      %sub3A_806 = vector.broadcast %sub3A_805 : i32 to vector<16xi32>
      %sub3A_807 = arith.subi %iota3A_804, %sub3A_806 : vector<16xi32>
      %max3A_808 = arith.constant 0 : i32
      %max3A_809 = vector.broadcast %max3A_808 : i32 to vector<16xi32>
      %max3A_810 = arith.maxsi %sub3A_807, %max3A_809 : vector<16xi32>
      %broadcast_in_dim3A_811 = vector.shape_cast %max3A_810 : vector<16xi32> to vector<16x1xi32>
      %gather3A_812 = vector.shape_cast %broadcast_in_dim3A_811 : vector<16x1xi32> to vector<16xi32>
      %gather3A_813 = tpu.dynamic_gather %select_n3A_803[%gather3A_812] in [0] : vector<16xi32>, vector<16xi32> -> vector<16xi32>
      %ge3A_814 = arith.constant 1 : i32
      %ge3A_815 = vector.broadcast %ge3A_814 : i32 to vector<16xi32>
      %ge3A_816 = arith.cmpi sge, %iota3A_804, %ge3A_815 : vector<16xi32>
      %jit3A_817 = arith.constant 0 : i32
      %broadcast_in_dim3A_818 = vector.broadcast %jit3A_817 : i32 to vector<16xi32>
      %select_n3A_819 = arith.select %ge3A_816, %gather3A_813, %broadcast_in_dim3A_818 : vector<16xi1>, vector<16xi32>
      %add3A_820 = arith.addi %select_n3A_803, %select_n3A_819 : vector<16xi32>
      %sub3A_821 = arith.constant 2 : i32
      %sub3A_822 = vector.broadcast %sub3A_821 : i32 to vector<16xi32>
      %sub3A_823 = arith.subi %iota3A_804, %sub3A_822 : vector<16xi32>
      %max3A_824 = arith.constant 0 : i32
      %max3A_825 = vector.broadcast %max3A_824 : i32 to vector<16xi32>
      %max3A_826 = arith.maxsi %sub3A_823, %max3A_825 : vector<16xi32>
      %broadcast_in_dim3A_827 = vector.shape_cast %max3A_826 : vector<16xi32> to vector<16x1xi32>
      %gather3A_828 = vector.shape_cast %broadcast_in_dim3A_827 : vector<16x1xi32> to vector<16xi32>
      %gather3A_829 = tpu.dynamic_gather %add3A_820[%gather3A_828] in [0] : vector<16xi32>, vector<16xi32> -> vector<16xi32>
      %ge3A_830 = arith.constant 2 : i32
      %ge3A_831 = vector.broadcast %ge3A_830 : i32 to vector<16xi32>
      %ge3A_832 = arith.cmpi sge, %iota3A_804, %ge3A_831 : vector<16xi32>
      %jit3A_833 = arith.constant 0 : i32
      %broadcast_in_dim3A_834 = vector.broadcast %jit3A_833 : i32 to vector<16xi32>
      %select_n3A_835 = arith.select %ge3A_832, %gather3A_829, %broadcast_in_dim3A_834 : vector<16xi1>, vector<16xi32>
      %add3A_836 = arith.addi %add3A_820, %select_n3A_835 : vector<16xi32>
      %sub3A_837 = arith.constant 4 : i32
      %sub3A_838 = vector.broadcast %sub3A_837 : i32 to vector<16xi32>
      %sub3A_839 = arith.subi %iota3A_804, %sub3A_838 : vector<16xi32>
      %max3A_840 = arith.constant 0 : i32
      %max3A_841 = vector.broadcast %max3A_840 : i32 to vector<16xi32>
      %max3A_842 = arith.maxsi %sub3A_839, %max3A_841 : vector<16xi32>
      %broadcast_in_dim3A_843 = vector.shape_cast %max3A_842 : vector<16xi32> to vector<16x1xi32>
      %gather3A_844 = vector.shape_cast %broadcast_in_dim3A_843 : vector<16x1xi32> to vector<16xi32>
      %gather3A_845 = tpu.dynamic_gather %add3A_836[%gather3A_844] in [0] : vector<16xi32>, vector<16xi32> -> vector<16xi32>
      %ge3A_846 = arith.constant 4 : i32
      %ge3A_847 = vector.broadcast %ge3A_846 : i32 to vector<16xi32>
      %ge3A_848 = arith.cmpi sge, %iota3A_804, %ge3A_847 : vector<16xi32>
      %jit3A_849 = arith.constant 0 : i32
      %broadcast_in_dim3A_850 = vector.broadcast %jit3A_849 : i32 to vector<16xi32>
      %select_n3A_851 = arith.select %ge3A_848, %gather3A_845, %broadcast_in_dim3A_850 : vector<16xi1>, vector<16xi32>
      %add3A_852 = arith.addi %add3A_836, %select_n3A_851 : vector<16xi32>
      %sub3A_853 = arith.constant 8 : i32
      %sub3A_854 = vector.broadcast %sub3A_853 : i32 to vector<16xi32>
      %sub3A_855 = arith.subi %iota3A_804, %sub3A_854 : vector<16xi32>
      %max3A_856 = arith.constant 0 : i32
      %max3A_857 = vector.broadcast %max3A_856 : i32 to vector<16xi32>
      %max3A_858 = arith.maxsi %sub3A_855, %max3A_857 : vector<16xi32>
      %broadcast_in_dim3A_859 = vector.shape_cast %max3A_858 : vector<16xi32> to vector<16x1xi32>
      %gather3A_860 = vector.shape_cast %broadcast_in_dim3A_859 : vector<16x1xi32> to vector<16xi32>
      %gather3A_861 = tpu.dynamic_gather %add3A_852[%gather3A_860] in [0] : vector<16xi32>, vector<16xi32> -> vector<16xi32>
      %ge3A_862 = arith.constant 8 : i32
      %ge3A_863 = vector.broadcast %ge3A_862 : i32 to vector<16xi32>
      %ge3A_864 = arith.cmpi sge, %iota3A_804, %ge3A_863 : vector<16xi32>
      %jit3A_865 = arith.constant 0 : i32
      %broadcast_in_dim3A_866 = vector.broadcast %jit3A_865 : i32 to vector<16xi32>
      %select_n3A_867 = arith.select %ge3A_864, %gather3A_861, %broadcast_in_dim3A_866 : vector<16xi1>, vector<16xi32>
      %add3A_868 = arith.addi %add3A_852, %select_n3A_867 : vector<16xi32>
      %add3A_869 = vector.broadcast %scan3A_791 : i32 to vector<16xi32>
      %add3A_870 = arith.addi %add3A_868, %add3A_869 : vector<16xi32>
      %mul3A_871 = arith.muli %add3A_870, %select_n3A_803 : vector<16xi32>
      %add3A_872 = arith.constant 1 : i32
      %add3A_873 = vector.broadcast %add3A_872 : i32 to vector<16xi32>
      %add3A_874 = arith.addi %mul3A_871, %add3A_873 : vector<16xi32>
      %mul3A_875 = arith.constant 16 : i32
      %mul3A_876 = arith.muli %scan3A_790, %mul3A_875 : i32
      %swap3A_877 = arith.index_cast %mul3A_876 : i32 to index
      %swap3A_878 = tpu.vector_load %arg6[%swap3A_877] {strides = array<i32>} : memref<1024xi32, #tpu.memory_space<vmem>>, vector<16xi32>,
      %swap3A_879 = vector.shape_cast %swap3A_878 : vector<16xi32> to vector<16xi32>
      %swap3A_880 = vector.shape_cast %add3A_874 : vector<16xi32> to vector<16xi32>
      tpu.vector_store %arg6[%swap3A_877], %swap3A_880 {strides = array<i32>} : memref<1024xi32, #tpu.memory_space<vmem>>, vector<16xi32>,
      %slice3A_881 = vector.extract_strided_slice %add3A_868 {offsets = [15], sizes = [1], strides = [1]} : vector<16xi32> to vector<1xi32>
      %squeeze3A_882 = vector.extract %slice3A_881[0] : i32 from vector<1xi32>
      %eq3A_883 = arith.constant 16 : i32
      %eq3A_884 = arith.cmpi eq, %squeeze3A_882, %eq3A_883 : i32
      %convert_element_type3A_885 = arith.extui %eq3A_884 : i1 to i32
      %swap3A_886 = arith.index_cast %scan3A_790 : i32 to index
      %swap3A_887 = memref.load %arg10[%swap3A_886] : memref<64xi32, #tpu.memory_space<smem>>
      memref.store %convert_element_type3A_885, %arg10[%swap3A_886] : memref<64xi32, #tpu.memory_space<smem>>
      %add3A_888 = arith.constant 1 : i32
      %add3A_889 = arith.addi %scan3A_791, %add3A_888 : i32
      %add3A_890 = arith.constant 1 : i32
      %add3A_891 = arith.addi %add3A_889, %add3A_890 : i32
      %swap3A_892 = arith.index_cast %scan3A_790 : i32 to index
      %swap3A_893 = memref.load %arg11[%swap3A_892] : memref<64xi32, #tpu.memory_space<smem>>
      memref.store %add3A_891, %arg11[%swap3A_892] : memref<64xi32, #tpu.memory_space<smem>>
      %add3A_894 = arith.addi %scan3A_791, %squeeze3A_882 : i32
      scf.yield %add3A_894 : i32
    }
    %scan3A_711 = arith.constant 32 : i32
    %scan3A_712 = arith.constant 0 : i32
    %scan3A_713 = arith.constant 0 : i32
    %scan3A_714 = arith.constant 16 : i32
    %scan3A_715 = arith.addi %scan3A_713, %scan3A_714 : i32
    %scan3A_716 = arith.constant 1 : i32
    scf.for %scan3A_790 = %scan3A_713 to %scan3A_715 step %scan3A_716  : i32 {
      %mul3A_791 = arith.constant 2 : i32
      %mul3A_792 = arith.muli %scan3A_790, %mul3A_791 : i32
      %add3A_793 = arith.constant 0 : i32
      %add3A_794 = arith.addi %mul3A_792, %add3A_793 : i32
      %get3A_795 = arith.index_cast %add3A_794 : i32 to index
      %get3A_796 = memref.load %arg10[%get3A_795] : memref<64xi32, #tpu.memory_space<smem>>
      %eq3A_797 = arith.constant 1 : i32
      %eq3A_798 = arith.cmpi eq, %get3A_796, %eq3A_797 : i32
      %add3A_799 = arith.constant 32 : i32
      %add3A_800 = arith.addi %add3A_799, %add3A_794 : i32
      %get3A_801 = arith.index_cast %add3A_800 : i32 to index
      %get3A_802 = memref.load %arg10[%get3A_801] : memref<64xi32, #tpu.memory_space<smem>>
      %eq3A_803 = arith.constant 1 : i32
      %eq3A_804 = arith.cmpi eq, %get3A_802, %eq3A_803 : i32
      %and3A_805 = arith.andi %eq3A_798, %eq3A_804 : i1
      %get3A_806 = arith.index_cast %add3A_794 : i32 to index
      %get3A_807 = memref.load %arg11[%get3A_806] : memref<64xi32, #tpu.memory_space<smem>>
      %add3A_808 = arith.constant 32 : i32
      %add3A_809 = arith.addi %add3A_808, %add3A_794 : i32
      %get3A_810 = arith.index_cast %add3A_809 : i32 to index
      %get3A_811 = memref.load %arg11[%get3A_810] : memref<64xi32, #tpu.memory_space<smem>>
      %eq3A_812 = arith.cmpi eq, %get3A_807, %get3A_811 : i32
      %and3A_813 = arith.andi %and3A_805, %eq3A_812 : i1
      %ge3A_814 = arith.constant 2 : i32
      %ge3A_815 = arith.cmpi sge, %add3A_794, %ge3A_814 : i32
      %convert_element_type3A_816 = arith.extui %ge3A_815 : i1 to i32
      %cond3A_817 = arith.constant 0 : i32
      %cond3A_818 = arith.cmpi ne, %convert_element_type3A_816, %cond3A_817 : i32
      scf.if %cond3A_818 {
        %sub3A_923 = arith.constant 2 : i32
        %sub3A_924 = arith.subi %add3A_794, %sub3A_923 : i32
        %get3A_925 = arith.index_cast %sub3A_924 : i32 to index
        %get3A_926 = memref.load %arg10[%get3A_925] : memref<64xi32, #tpu.memory_space<smem>>
        %eq3A_927 = arith.constant 1 : i32
        %eq3A_928 = arith.cmpi eq, %get3A_926, %eq3A_927 : i32
        %add3A_929 = arith.constant 32 : i32
        %add3A_930 = arith.addi %add3A_929, %sub3A_924 : i32
        %get3A_931 = arith.index_cast %add3A_930 : i32 to index
        %get3A_932 = memref.load %arg10[%get3A_931] : memref<64xi32, #tpu.memory_space<smem>>
        %eq3A_933 = arith.constant 1 : i32
        %eq3A_934 = arith.cmpi eq, %get3A_932, %eq3A_933 : i32
        %and3A_935 = arith.andi %eq3A_928, %eq3A_934 : i1
        %get3A_936 = arith.index_cast %sub3A_924 : i32 to index
        %get3A_937 = memref.load %arg11[%get3A_936] : memref<64xi32, #tpu.memory_space<smem>>
        %add3A_938 = arith.constant 32 : i32
        %add3A_939 = arith.addi %add3A_938, %sub3A_924 : i32
        %get3A_940 = arith.index_cast %add3A_939 : i32 to index
        %get3A_941 = memref.load %arg11[%get3A_940] : memref<64xi32, #tpu.memory_space<smem>>
        %eq3A_942 = arith.cmpi eq, %get3A_937, %get3A_941 : i32
        %and3A_943 = arith.andi %and3A_935, %eq3A_942 : i1
        %convert_element_type3A_944 = arith.extui %and3A_943 : i1 to i32
        %cond3A_945 = arith.constant 0 : i32
        %cond3A_946 = arith.cmpi ne, %convert_element_type3A_944, %cond3A_945 : i32
        scf.if %cond3A_946 {
          %mul3A_952 = arith.constant 16 : i32
          %mul3A_953 = arith.muli %sub3A_924, %mul3A_952 : i32
          %add3A_954 = arith.addi %add3A_11, %mul3A_953 : i32
          %dma_wait3A_955 = arith.constant 0 : i32
          %dma_wait3A_956 = tpu.memref_slice %arg4[%add3A_954, %dma_wait3A_955] : memref<32768x1024xf32, #tpu.memory_space<hbm>> -> memref<16x1024xf32, #tpu.memory_space<hbm>>
          %dma_wait3A_957 = arith.constant 0 : i32
          %dma_wait3A_958 = tpu.memref_slice %arg4[%add3A_954, %dma_wait3A_957] : memref<32768x1024xf32, #tpu.memory_space<hbm>> -> memref<16x1024xf32, #tpu.memory_space<hbm>>
          tpu.wait_dma2 semaphore(%arg21 : memref<!tpu.dma_semaphore, #tpu.memory_space<semaphore_mem>>) src(%arg12 : memref<16x1024xf32, #tpu.memory_space<vmem>>) dst(%dma_wait3A_958 : memref<16x1024xf32, #tpu.memory_space<hbm>>)
        } else {
        }
        %not3A_947 = arith.constant true
        %not3A_948 = arith.xori %and3A_943, %not3A_947 : i1
        %convert_element_type3A_949 = arith.extui %not3A_948 : i1 to i32
        %cond3A_950 = arith.constant 0 : i32
        %cond3A_951 = arith.cmpi ne, %convert_element_type3A_949, %cond3A_950 : i32
        scf.if %cond3A_951 {
          %mul3A_952 = arith.constant 16 : i32
          %mul3A_953 = arith.muli %sub3A_924, %mul3A_952 : i32
          %add3A_954 = arith.addi %add3A, %mul3A_953 : i32
          %dma_wait3A_955 = arith.constant 0 : i32
          %dma_wait3A_956 = tpu.memref_slice %arg4[%add3A_954, %dma_wait3A_955] : memref<32768x1024xf32, #tpu.memory_space<hbm>> -> memref<16x1024xf32, #tpu.memory_space<hbm>>
          %dma_wait3A_957 = arith.constant 0 : i32
          %dma_wait3A_958 = tpu.memref_slice %arg4[%add3A_954, %dma_wait3A_957] : memref<32768x1024xf32, #tpu.memory_space<hbm>> -> memref<16x1024xf32, #tpu.memory_space<hbm>>
          tpu.wait_dma2 semaphore(%arg20 : memref<!tpu.dma_semaphore, #tpu.memory_space<semaphore_mem>>) src(%arg12 : memref<16x1024xf32, #tpu.memory_space<vmem>>) dst(%dma_wait3A_958 : memref<16x1024xf32, #tpu.memory_space<hbm>>)
          %mul3A_959 = arith.constant 16 : i32
          %mul3A_960 = arith.muli %sub3A_924, %mul3A_959 : i32
          %add3A_961 = arith.addi %add3A_11, %mul3A_960 : i32
          %dma_wait3A_962 = arith.constant 0 : i32
          %dma_wait3A_963 = tpu.memref_slice %arg4[%add3A_961, %dma_wait3A_962] : memref<32768x1024xf32, #tpu.memory_space<hbm>> -> memref<16x1024xf32, #tpu.memory_space<hbm>>
          %dma_wait3A_964 = arith.constant 0 : i32
          %dma_wait3A_965 = tpu.memref_slice %arg4[%add3A_961, %dma_wait3A_964] : memref<32768x1024xf32, #tpu.memory_space<hbm>> -> memref<16x1024xf32, #tpu.memory_space<hbm>>
          tpu.wait_dma2 semaphore(%arg21 : memref<!tpu.dma_semaphore, #tpu.memory_space<semaphore_mem>>) src(%arg13 : memref<16x1024xf32, #tpu.memory_space<vmem>>) dst(%dma_wait3A_965 : memref<16x1024xf32, #tpu.memory_space<hbm>>)
        } else {
        }
      } else {
      }
      %ge3A_819 = arith.constant 1 : i32
      %ge3A_820 = arith.cmpi sge, %add3A_794, %ge3A_819 : i32
      %convert_element_type3A_821 = arith.extui %ge3A_820 : i1 to i32
      %cond3A_822 = arith.constant 0 : i32
      %cond3A_823 = arith.cmpi ne, %convert_element_type3A_821, %cond3A_822 : i32
      scf.if %cond3A_823 {
        %sub3A_923 = arith.constant 1 : i32
        %sub3A_924 = arith.subi %add3A_794, %sub3A_923 : i32
        %get3A_925 = arith.index_cast %sub3A_924 : i32 to index
        %get3A_926 = memref.load %arg10[%get3A_925] : memref<64xi32, #tpu.memory_space<smem>>
        %eq3A_927 = arith.constant 1 : i32
        %eq3A_928 = arith.cmpi eq, %get3A_926, %eq3A_927 : i32
        %add3A_929 = arith.constant 32 : i32
        %add3A_930 = arith.addi %add3A_929, %sub3A_924 : i32
        %get3A_931 = arith.index_cast %add3A_930 : i32 to index
        %get3A_932 = memref.load %arg10[%get3A_931] : memref<64xi32, #tpu.memory_space<smem>>
        %eq3A_933 = arith.constant 1 : i32
        %eq3A_934 = arith.cmpi eq, %get3A_932, %eq3A_933 : i32
        %and3A_935 = arith.andi %eq3A_928, %eq3A_934 : i1
        %get3A_936 = arith.index_cast %sub3A_924 : i32 to index
        %get3A_937 = memref.load %arg11[%get3A_936] : memref<64xi32, #tpu.memory_space<smem>>
        %add3A_938 = arith.constant 32 : i32
        %add3A_939 = arith.addi %add3A_938, %sub3A_924 : i32
        %get3A_940 = arith.index_cast %add3A_939 : i32 to index
        %get3A_941 = memref.load %arg11[%get3A_940] : memref<64xi32, #tpu.memory_space<smem>>
        %eq3A_942 = arith.cmpi eq, %get3A_937, %get3A_941 : i32
        %and3A_943 = arith.andi %and3A_935, %eq3A_942 : i1
        %convert_element_type3A_944 = arith.extui %and3A_943 : i1 to i32
        %cond3A_945 = arith.constant 0 : i32
        %cond3A_946 = arith.cmpi ne, %convert_element_type3A_944, %cond3A_945 : i32
        scf.if %cond3A_946 {
          %mul3A_947 = arith.constant 16 : i32
          %mul3A_948 = arith.muli %sub3A_924, %mul3A_947 : i32
          %add3A_949 = arith.addi %add3A, %mul3A_948 : i32
          %dma_wait3A_950 = arith.constant 0 : i32
          %dma_wait3A_951 = tpu.memref_slice %arg4[%add3A_949, %dma_wait3A_950] : memref<32768x1024xf32, #tpu.memory_space<hbm>> -> memref<16x1024xf32, #tpu.memory_space<hbm>>
          %dma_wait3A_952 = arith.constant 0 : i32
          %dma_wait3A_953 = tpu.memref_slice %arg4[%add3A_949, %dma_wait3A_952] : memref<32768x1024xf32, #tpu.memory_space<hbm>> -> memref<16x1024xf32, #tpu.memory_space<hbm>>
          tpu.wait_dma2 semaphore(%arg22 : memref<!tpu.dma_semaphore, #tpu.memory_space<semaphore_mem>>) src(%arg14 : memref<16x1024xf32, #tpu.memory_space<vmem>>) dst(%dma_wait3A_953 : memref<16x1024xf32, #tpu.memory_space<hbm>>)
          %mul3A_954 = arith.constant 16 : i32
          %mul3A_955 = arith.muli %sub3A_924, %mul3A_954 : i32
          %add3A_956 = arith.addi %add3A_11, %mul3A_955 : i32
          %dma_start3A_957 = arith.constant 0 : i32
          %dma_start3A_958 = tpu.memref_slice %arg4[%add3A_956, %dma_start3A_957] : memref<32768x1024xf32, #tpu.memory_space<hbm>> -> memref<16x1024xf32, #tpu.memory_space<hbm>>
          %dma_start3A_959 = arith.constant 0 : i32
          %dma_start3A_960 = tpu.memref_slice %arg4[%add3A_956, %dma_start3A_959] : memref<32768x1024xf32, #tpu.memory_space<hbm>> -> memref<16x1024xf32, #tpu.memory_space<hbm>>
          tpu.enqueue_dma source(%arg14 : memref<16x1024xf32, #tpu.memory_space<vmem>>) target(%dma_start3A_960 : memref<16x1024xf32, #tpu.memory_space<hbm>>) target_semaphore(%arg23 : memref<!tpu.dma_semaphore, #tpu.memory_space<semaphore_mem>>)
        } else {
        }
      } else {
      }
      %mul3A_824 = arith.constant 16 : i32
      %mul3A_825 = arith.muli %add3A_794, %mul3A_824 : i32
      %dma_start3A = tpu.memref_slice %arg6[%mul3A_825] : memref<1024xi32, #tpu.memory_space<vmem>> -> memref<16xi32, #tpu.memory_space<vmem>>
      %dma_start3A_826 = arith.constant 0 : i32
      %dma_start3A_827 = arith.constant 0 : i32
      %dma_start3A_828 = tpu.memref_slice %arg3[%dma_start3A_826, %dma_start3A_827] : memref<8194x1024xf32, #tpu.memory_space<hbm>> -> memref<8194x1024xf32, #tpu.memory_space<hbm>>
      tpu.enqueue_indirect_dma source(%dma_start3A_828 : memref<8194x1024xf32, #tpu.memory_space<hbm>>) target(%arg12 : memref<16x1024xf32, #tpu.memory_space<vmem>>) offsets(%dma_start3A : memref<16xi32, #tpu.memory_space<vmem>>) semaphore(%arg16 : memref<!tpu.dma_semaphore, #tpu.memory_space<semaphore_mem>>)
      %not3A_829 = arith.constant true
      %not3A_830 = arith.xori %and3A_813, %not3A_829 : i1
      %convert_element_type3A_831 = arith.extui %not3A_830 : i1 to i32
      %cond3A_832 = arith.constant 0 : i32
      %cond3A_833 = arith.cmpi ne, %convert_element_type3A_831, %cond3A_832 : i32
      scf.if %cond3A_833 {
        %add3A_923 = arith.constant 32 : i32
        %add3A_924 = arith.addi %add3A_923, %add3A_794 : i32
        %mul3A_925 = arith.constant 16 : i32
        %mul3A_926 = arith.muli %add3A_924, %mul3A_925 : i32
        %dma_start3A_927 = tpu.memref_slice %arg6[%mul3A_926] : memref<1024xi32, #tpu.memory_space<vmem>> -> memref<16xi32, #tpu.memory_space<vmem>>
        %dma_start3A_928 = arith.constant 0 : i32
        %dma_start3A_929 = arith.constant 0 : i32
        %dma_start3A_930 = tpu.memref_slice %arg3[%dma_start3A_928, %dma_start3A_929] : memref<8194x1024xf32, #tpu.memory_space<hbm>> -> memref<8194x1024xf32, #tpu.memory_space<hbm>>
        tpu.enqueue_indirect_dma source(%dma_start3A_930 : memref<8194x1024xf32, #tpu.memory_space<hbm>>) target(%arg13 : memref<16x1024xf32, #tpu.memory_space<vmem>>) offsets(%dma_start3A_927 : memref<16xi32, #tpu.memory_space<vmem>>) semaphore(%arg17 : memref<!tpu.dma_semaphore, #tpu.memory_space<semaphore_mem>>)
      } else {
      }
      %mul3A_834 = arith.constant 16 : i32
      %mul3A_835 = arith.muli %add3A_794, %mul3A_834 : i32
      %dma_wait3A = tpu.memref_slice %arg6[%mul3A_835] : memref<1024xi32, #tpu.memory_space<vmem>> -> memref<16xi32, #tpu.memory_space<vmem>>
      %dma_wait3A_836 = arith.constant 0 : i32
      %dma_wait3A_837 = arith.constant 0 : i32
      %dma_wait3A_838 = tpu.memref_slice %arg3[%dma_wait3A_836, %dma_wait3A_837] : memref<8194x1024xf32, #tpu.memory_space<hbm>> -> memref<8194x1024xf32, #tpu.memory_space<hbm>>
      tpu.wait_indirect_dma semaphore(%arg16 : memref<!tpu.dma_semaphore, #tpu.memory_space<semaphore_mem>>) src(%dma_wait3A_838 : memref<8194x1024xf32, #tpu.memory_space<hbm>>) dst(%arg12 : memref<16x1024xf32, #tpu.memory_space<vmem>>)
      %not3A_839 = arith.constant true
      %not3A_840 = arith.xori %and3A_813, %not3A_839 : i1
      %convert_element_type3A_841 = arith.extui %not3A_840 : i1 to i32
      %cond3A_842 = arith.constant 0 : i32
      %cond3A_843 = arith.cmpi ne, %convert_element_type3A_841, %cond3A_842 : i32
      scf.if %cond3A_843 {
        %add3A_923 = arith.constant 32 : i32
        %add3A_924 = arith.addi %add3A_923, %add3A_794 : i32
        %mul3A_925 = arith.constant 16 : i32
        %mul3A_926 = arith.muli %add3A_924, %mul3A_925 : i32
        %dma_wait3A_927 = tpu.memref_slice %arg6[%mul3A_926] : memref<1024xi32, #tpu.memory_space<vmem>> -> memref<16xi32, #tpu.memory_space<vmem>>
        %dma_wait3A_928 = arith.constant 0 : i32
        %dma_wait3A_929 = arith.constant 0 : i32
        %dma_wait3A_930 = tpu.memref_slice %arg3[%dma_wait3A_928, %dma_wait3A_929] : memref<8194x1024xf32, #tpu.memory_space<hbm>> -> memref<8194x1024xf32, #tpu.memory_space<hbm>>
        tpu.wait_indirect_dma semaphore(%arg17 : memref<!tpu.dma_semaphore, #tpu.memory_space<semaphore_mem>>) src(%dma_wait3A_930 : memref<8194x1024xf32, #tpu.memory_space<hbm>>) dst(%arg13 : memref<16x1024xf32, #tpu.memory_space<vmem>>)
      } else {
      }
      %mul3A_844 = arith.constant 16 : i32
      %mul3A_845 = arith.muli %add3A_794, %mul3A_844 : i32
      %add3A_846 = arith.addi %add3A, %mul3A_845 : i32
      %dma_start3A_847 = arith.constant 0 : i32
      %dma_start3A_848 = tpu.memref_slice %arg4[%add3A_846, %dma_start3A_847] : memref<32768x1024xf32, #tpu.memory_space<hbm>> -> memref<16x1024xf32, #tpu.memory_space<hbm>>
      %dma_start3A_849 = arith.constant 0 : i32
      %dma_start3A_850 = tpu.memref_slice %arg4[%add3A_846, %dma_start3A_849] : memref<32768x1024xf32, #tpu.memory_space<hbm>> -> memref<16x1024xf32, #tpu.memory_space<hbm>>
      tpu.enqueue_dma source(%arg12 : memref<16x1024xf32, #tpu.memory_space<vmem>>) target(%dma_start3A_850 : memref<16x1024xf32, #tpu.memory_space<hbm>>) target_semaphore(%arg20 : memref<!tpu.dma_semaphore, #tpu.memory_space<semaphore_mem>>)
      %not3A_851 = arith.constant true
      %not3A_852 = arith.xori %and3A_813, %not3A_851 : i1
      %convert_element_type3A_853 = arith.extui %not3A_852 : i1 to i32
      %cond3A_854 = arith.constant 0 : i32
      %cond3A_855 = arith.cmpi ne, %convert_element_type3A_853, %cond3A_854 : i32
      scf.if %cond3A_855 {
        %mul3A_923 = arith.constant 16 : i32
        %mul3A_924 = arith.muli %add3A_794, %mul3A_923 : i32
        %add3A_925 = arith.addi %add3A_11, %mul3A_924 : i32
        %dma_start3A_926 = arith.constant 0 : i32
        %dma_start3A_927 = tpu.memref_slice %arg4[%add3A_925, %dma_start3A_926] : memref<32768x1024xf32, #tpu.memory_space<hbm>> -> memref<16x1024xf32, #tpu.memory_space<hbm>>
        %dma_start3A_928 = arith.constant 0 : i32
        %dma_start3A_929 = tpu.memref_slice %arg4[%add3A_925, %dma_start3A_928] : memref<32768x1024xf32, #tpu.memory_space<hbm>> -> memref<16x1024xf32, #tpu.memory_space<hbm>>
        tpu.enqueue_dma source(%arg13 : memref<16x1024xf32, #tpu.memory_space<vmem>>) target(%dma_start3A_929 : memref<16x1024xf32, #tpu.memory_space<hbm>>) target_semaphore(%arg21 : memref<!tpu.dma_semaphore, #tpu.memory_space<semaphore_mem>>)
      } else {
      }
      %mul3A_856 = arith.constant 2 : i32
      %mul3A_857 = arith.muli %scan3A_790, %mul3A_856 : i32
      %add3A_858 = arith.constant 1 : i32
      %add3A_859 = arith.addi %mul3A_857, %add3A_858 : i32
      %get3A_860 = arith.index_cast %add3A_859 : i32 to index
      %get3A_861 = memref.load %arg10[%get3A_860] : memref<64xi32, #tpu.memory_space<smem>>
      %eq3A_862 = arith.constant 1 : i32
      %eq3A_863 = arith.cmpi eq, %get3A_861, %eq3A_862 : i32
      %add3A_864 = arith.constant 32 : i32
      %add3A_865 = arith.addi %add3A_864, %add3A_859 : i32
      %get3A_866 = arith.index_cast %add3A_865 : i32 to index
      %get3A_867 = memref.load %arg10[%get3A_866] : memref<64xi32, #tpu.memory_space<smem>>
      %eq3A_868 = arith.constant 1 : i32
      %eq3A_869 = arith.cmpi eq, %get3A_867, %eq3A_868 : i32
      %and3A_870 = arith.andi %eq3A_863, %eq3A_869 : i1
      %get3A_871 = arith.index_cast %add3A_859 : i32 to index
      %get3A_872 = memref.load %arg11[%get3A_871] : memref<64xi32, #tpu.memory_space<smem>>
      %add3A_873 = arith.constant 32 : i32
      %add3A_874 = arith.addi %add3A_873, %add3A_859 : i32
      %get3A_875 = arith.index_cast %add3A_874 : i32 to index
      %get3A_876 = memref.load %arg11[%get3A_875] : memref<64xi32, #tpu.memory_space<smem>>
      %eq3A_877 = arith.cmpi eq, %get3A_872, %get3A_876 : i32
      %and3A_878 = arith.andi %and3A_870, %eq3A_877 : i1
      %ge3A_879 = arith.constant 2 : i32
      %ge3A_880 = arith.cmpi sge, %add3A_859, %ge3A_879 : i32
      %convert_element_type3A_881 = arith.extui %ge3A_880 : i1 to i32
      %cond3A_882 = arith.constant 0 : i32
      %cond3A_883 = arith.cmpi ne, %convert_element_type3A_881, %cond3A_882 : i32
      scf.if %cond3A_883 {
        %sub3A_923 = arith.constant 2 : i32
        %sub3A_924 = arith.subi %add3A_859, %sub3A_923 : i32
        %get3A_925 = arith.index_cast %sub3A_924 : i32 to index
        %get3A_926 = memref.load %arg10[%get3A_925] : memref<64xi32, #tpu.memory_space<smem>>
        %eq3A_927 = arith.constant 1 : i32
        %eq3A_928 = arith.cmpi eq, %get3A_926, %eq3A_927 : i32
        %add3A_929 = arith.constant 32 : i32
        %add3A_930 = arith.addi %add3A_929, %sub3A_924 : i32
        %get3A_931 = arith.index_cast %add3A_930 : i32 to index
        %get3A_932 = memref.load %arg10[%get3A_931] : memref<64xi32, #tpu.memory_space<smem>>
        %eq3A_933 = arith.constant 1 : i32
        %eq3A_934 = arith.cmpi eq, %get3A_932, %eq3A_933 : i32
        %and3A_935 = arith.andi %eq3A_928, %eq3A_934 : i1
        %get3A_936 = arith.index_cast %sub3A_924 : i32 to index
        %get3A_937 = memref.load %arg11[%get3A_936] : memref<64xi32, #tpu.memory_space<smem>>
        %add3A_938 = arith.constant 32 : i32
        %add3A_939 = arith.addi %add3A_938, %sub3A_924 : i32
        %get3A_940 = arith.index_cast %add3A_939 : i32 to index
        %get3A_941 = memref.load %arg11[%get3A_940] : memref<64xi32, #tpu.memory_space<smem>>
        %eq3A_942 = arith.cmpi eq, %get3A_937, %get3A_941 : i32
        %and3A_943 = arith.andi %and3A_935, %eq3A_942 : i1
        %convert_element_type3A_944 = arith.extui %and3A_943 : i1 to i32
        %cond3A_945 = arith.constant 0 : i32
        %cond3A_946 = arith.cmpi ne, %convert_element_type3A_944, %cond3A_945 : i32
        scf.if %cond3A_946 {
          %mul3A_952 = arith.constant 16 : i32
          %mul3A_953 = arith.muli %sub3A_924, %mul3A_952 : i32
          %add3A_954 = arith.addi %add3A_11, %mul3A_953 : i32
          %dma_wait3A_955 = arith.constant 0 : i32
          %dma_wait3A_956 = tpu.memref_slice %arg4[%add3A_954, %dma_wait3A_955] : memref<32768x1024xf32, #tpu.memory_space<hbm>> -> memref<16x1024xf32, #tpu.memory_space<hbm>>
          %dma_wait3A_957 = arith.constant 0 : i32
          %dma_wait3A_958 = tpu.memref_slice %arg4[%add3A_954, %dma_wait3A_957] : memref<32768x1024xf32, #tpu.memory_space<hbm>> -> memref<16x1024xf32, #tpu.memory_space<hbm>>
          tpu.wait_dma2 semaphore(%arg23 : memref<!tpu.dma_semaphore, #tpu.memory_space<semaphore_mem>>) src(%arg14 : memref<16x1024xf32, #tpu.memory_space<vmem>>) dst(%dma_wait3A_958 : memref<16x1024xf32, #tpu.memory_space<hbm>>)
        } else {
        }
        %not3A_947 = arith.constant true
        %not3A_948 = arith.xori %and3A_943, %not3A_947 : i1
        %convert_element_type3A_949 = arith.extui %not3A_948 : i1 to i32
        %cond3A_950 = arith.constant 0 : i32
        %cond3A_951 = arith.cmpi ne, %convert_element_type3A_949, %cond3A_950 : i32
        scf.if %cond3A_951 {
          %mul3A_952 = arith.constant 16 : i32
          %mul3A_953 = arith.muli %sub3A_924, %mul3A_952 : i32
          %add3A_954 = arith.addi %add3A, %mul3A_953 : i32
          %dma_wait3A_955 = arith.constant 0 : i32
          %dma_wait3A_956 = tpu.memref_slice %arg4[%add3A_954, %dma_wait3A_955] : memref<32768x1024xf32, #tpu.memory_space<hbm>> -> memref<16x1024xf32, #tpu.memory_space<hbm>>
          %dma_wait3A_957 = arith.constant 0 : i32
          %dma_wait3A_958 = tpu.memref_slice %arg4[%add3A_954, %dma_wait3A_957] : memref<32768x1024xf32, #tpu.memory_space<hbm>> -> memref<16x1024xf32, #tpu.memory_space<hbm>>
          tpu.wait_dma2 semaphore(%arg22 : memref<!tpu.dma_semaphore, #tpu.memory_space<semaphore_mem>>) src(%arg14 : memref<16x1024xf32, #tpu.memory_space<vmem>>) dst(%dma_wait3A_958 : memref<16x1024xf32, #tpu.memory_space<hbm>>)
          %mul3A_959 = arith.constant 16 : i32
          %mul3A_960 = arith.muli %sub3A_924, %mul3A_959 : i32
          %add3A_961 = arith.addi %add3A_11, %mul3A_960 : i32
          %dma_wait3A_962 = arith.constant 0 : i32
          %dma_wait3A_963 = tpu.memref_slice %arg4[%add3A_961, %dma_wait3A_962] : memref<32768x1024xf32, #tpu.memory_space<hbm>> -> memref<16x1024xf32, #tpu.memory_space<hbm>>
          %dma_wait3A_964 = arith.constant 0 : i32
          %dma_wait3A_965 = tpu.memref_slice %arg4[%add3A_961, %dma_wait3A_964] : memref<32768x1024xf32, #tpu.memory_space<hbm>> -> memref<16x1024xf32, #tpu.memory_space<hbm>>
          tpu.wait_dma2 semaphore(%arg23 : memref<!tpu.dma_semaphore, #tpu.memory_space<semaphore_mem>>) src(%arg15 : memref<16x1024xf32, #tpu.memory_space<vmem>>) dst(%dma_wait3A_965 : memref<16x1024xf32, #tpu.memory_space<hbm>>)
        } else {
        }
      } else {
      }
      %ge3A_884 = arith.constant 1 : i32
      %ge3A_885 = arith.cmpi sge, %add3A_859, %ge3A_884 : i32
      %convert_element_type3A_886 = arith.extui %ge3A_885 : i1 to i32
      %cond3A_887 = arith.constant 0 : i32
      %cond3A_888 = arith.cmpi ne, %convert_element_type3A_886, %cond3A_887 : i32
      scf.if %cond3A_888 {
        %sub3A_923 = arith.constant 1 : i32
        %sub3A_924 = arith.subi %add3A_859, %sub3A_923 : i32
        %get3A_925 = arith.index_cast %sub3A_924 : i32 to index
        %get3A_926 = memref.load %arg10[%get3A_925] : memref<64xi32, #tpu.memory_space<smem>>
        %eq3A_927 = arith.constant 1 : i32
        %eq3A_928 = arith.cmpi eq, %get3A_926, %eq3A_927 : i32
        %add3A_929 = arith.constant 32 : i32
        %add3A_930 = arith.addi %add3A_929, %sub3A_924 : i32
        %get3A_931 = arith.index_cast %add3A_930 : i32 to index
        %get3A_932 = memref.load %arg10[%get3A_931] : memref<64xi32, #tpu.memory_space<smem>>
        %eq3A_933 = arith.constant 1 : i32
        %eq3A_934 = arith.cmpi eq, %get3A_932, %eq3A_933 : i32
        %and3A_935 = arith.andi %eq3A_928, %eq3A_934 : i1
        %get3A_936 = arith.index_cast %sub3A_924 : i32 to index
        %get3A_937 = memref.load %arg11[%get3A_936] : memref<64xi32, #tpu.memory_space<smem>>
        %add3A_938 = arith.constant 32 : i32
        %add3A_939 = arith.addi %add3A_938, %sub3A_924 : i32
        %get3A_940 = arith.index_cast %add3A_939 : i32 to index
        %get3A_941 = memref.load %arg11[%get3A_940] : memref<64xi32, #tpu.memory_space<smem>>
        %eq3A_942 = arith.cmpi eq, %get3A_937, %get3A_941 : i32
        %and3A_943 = arith.andi %and3A_935, %eq3A_942 : i1
        %convert_element_type3A_944 = arith.extui %and3A_943 : i1 to i32
        %cond3A_945 = arith.constant 0 : i32
        %cond3A_946 = arith.cmpi ne, %convert_element_type3A_944, %cond3A_945 : i32
        scf.if %cond3A_946 {
          %mul3A_947 = arith.constant 16 : i32
          %mul3A_948 = arith.muli %sub3A_924, %mul3A_947 : i32
          %add3A_949 = arith.addi %add3A, %mul3A_948 : i32
          %dma_wait3A_950 = arith.constant 0 : i32
          %dma_wait3A_951 = tpu.memref_slice %arg4[%add3A_949, %dma_wait3A_950] : memref<32768x1024xf32, #tpu.memory_space<hbm>> -> memref<16x1024xf32, #tpu.memory_space<hbm>>
          %dma_wait3A_952 = arith.constant 0 : i32
          %dma_wait3A_953 = tpu.memref_slice %arg4[%add3A_949, %dma_wait3A_952] : memref<32768x1024xf32, #tpu.memory_space<hbm>> -> memref<16x1024xf32, #tpu.memory_space<hbm>>
          tpu.wait_dma2 semaphore(%arg20 : memref<!tpu.dma_semaphore, #tpu.memory_space<semaphore_mem>>) src(%arg12 : memref<16x1024xf32, #tpu.memory_space<vmem>>) dst(%dma_wait3A_953 : memref<16x1024xf32, #tpu.memory_space<hbm>>)
          %mul3A_954 = arith.constant 16 : i32
          %mul3A_955 = arith.muli %sub3A_924, %mul3A_954 : i32
          %add3A_956 = arith.addi %add3A_11, %mul3A_955 : i32
          %dma_start3A_957 = arith.constant 0 : i32
          %dma_start3A_958 = tpu.memref_slice %arg4[%add3A_956, %dma_start3A_957] : memref<32768x1024xf32, #tpu.memory_space<hbm>> -> memref<16x1024xf32, #tpu.memory_space<hbm>>
          %dma_start3A_959 = arith.constant 0 : i32
          %dma_start3A_960 = tpu.memref_slice %arg4[%add3A_956, %dma_start3A_959] : memref<32768x1024xf32, #tpu.memory_space<hbm>> -> memref<16x1024xf32, #tpu.memory_space<hbm>>
          tpu.enqueue_dma source(%arg12 : memref<16x1024xf32, #tpu.memory_space<vmem>>) target(%dma_start3A_960 : memref<16x1024xf32, #tpu.memory_space<hbm>>) target_semaphore(%arg21 : memref<!tpu.dma_semaphore, #tpu.memory_space<semaphore_mem>>)
        } else {
        }
      } else {
      }
      %mul3A_889 = arith.constant 16 : i32
      %mul3A_890 = arith.muli %add3A_859, %mul3A_889 : i32
      %dma_start3A_891 = tpu.memref_slice %arg6[%mul3A_890] : memref<1024xi32, #tpu.memory_space<vmem>> -> memref<16xi32, #tpu.memory_space<vmem>>
      %dma_start3A_892 = arith.constant 0 : i32
      %dma_start3A_893 = arith.constant 0 : i32
      %dma_start3A_894 = tpu.memref_slice %arg3[%dma_start3A_892, %dma_start3A_893] : memref<8194x1024xf32, #tpu.memory_space<hbm>> -> memref<8194x1024xf32, #tpu.memory_space<hbm>>
      tpu.enqueue_indirect_dma source(%dma_start3A_894 : memref<8194x1024xf32, #tpu.memory_space<hbm>>) target(%arg14 : memref<16x1024xf32, #tpu.memory_space<vmem>>) offsets(%dma_start3A_891 : memref<16xi32, #tpu.memory_space<vmem>>) semaphore(%arg18 : memref<!tpu.dma_semaphore, #tpu.memory_space<semaphore_mem>>)
      %not3A_895 = arith.constant true
      %not3A_896 = arith.xori %and3A_878, %not3A_895 : i1
      %convert_element_type3A_897 = arith.extui %not3A_896 : i1 to i32
      %cond3A_898 = arith.constant 0 : i32
      %cond3A_899 = arith.cmpi ne, %convert_element_type3A_897, %cond3A_898 : i32
      scf.if %cond3A_899 {
        %add3A_923 = arith.constant 32 : i32
        %add3A_924 = arith.addi %add3A_923, %add3A_859 : i32
        %mul3A_925 = arith.constant 16 : i32
        %mul3A_926 = arith.muli %add3A_924, %mul3A_925 : i32
        %dma_start3A_927 = tpu.memref_slice %arg6[%mul3A_926] : memref<1024xi32, #tpu.memory_space<vmem>> -> memref<16xi32, #tpu.memory_space<vmem>>
        %dma_start3A_928 = arith.constant 0 : i32
        %dma_start3A_929 = arith.constant 0 : i32
        %dma_start3A_930 = tpu.memref_slice %arg3[%dma_start3A_928, %dma_start3A_929] : memref<8194x1024xf32, #tpu.memory_space<hbm>> -> memref<8194x1024xf32, #tpu.memory_space<hbm>>
        tpu.enqueue_indirect_dma source(%dma_start3A_930 : memref<8194x1024xf32, #tpu.memory_space<hbm>>) target(%arg15 : memref<16x1024xf32, #tpu.memory_space<vmem>>) offsets(%dma_start3A_927 : memref<16xi32, #tpu.memory_space<vmem>>) semaphore(%arg19 : memref<!tpu.dma_semaphore, #tpu.memory_space<semaphore_mem>>)
      } else {
      }
      %mul3A_900 = arith.constant 16 : i32
      %mul3A_901 = arith.muli %add3A_859, %mul3A_900 : i32
      %dma_wait3A_902 = tpu.memref_slice %arg6[%mul3A_901] : memref<1024xi32, #tpu.memory_space<vmem>> -> memref<16xi32, #tpu.memory_space<vmem>>
      %dma_wait3A_903 = arith.constant 0 : i32
      %dma_wait3A_904 = arith.constant 0 : i32
      %dma_wait3A_905 = tpu.memref_slice %arg3[%dma_wait3A_903, %dma_wait3A_904] : memref<8194x1024xf32, #tpu.memory_space<hbm>> -> memref<8194x1024xf32, #tpu.memory_space<hbm>>
      tpu.wait_indirect_dma semaphore(%arg18 : memref<!tpu.dma_semaphore, #tpu.memory_space<semaphore_mem>>) src(%dma_wait3A_905 : memref<8194x1024xf32, #tpu.memory_space<hbm>>) dst(%arg14 : memref<16x1024xf32, #tpu.memory_space<vmem>>)
      %not3A_906 = arith.constant true
      %not3A_907 = arith.xori %and3A_878, %not3A_906 : i1
      %convert_element_type3A_908 = arith.extui %not3A_907 : i1 to i32
      %cond3A_909 = arith.constant 0 : i32
      %cond3A_910 = arith.cmpi ne, %convert_element_type3A_908, %cond3A_909 : i32
      scf.if %cond3A_910 {
        %add3A_923 = arith.constant 32 : i32
        %add3A_924 = arith.addi %add3A_923, %add3A_859 : i32
        %mul3A_925 = arith.constant 16 : i32
        %mul3A_926 = arith.muli %add3A_924, %mul3A_925 : i32
        %dma_wait3A_927 = tpu.memref_slice %arg6[%mul3A_926] : memref<1024xi32, #tpu.memory_space<vmem>> -> memref<16xi32, #tpu.memory_space<vmem>>
        %dma_wait3A_928 = arith.constant 0 : i32
        %dma_wait3A_929 = arith.constant 0 : i32
        %dma_wait3A_930 = tpu.memref_slice %arg3[%dma_wait3A_928, %dma_wait3A_929] : memref<8194x1024xf32, #tpu.memory_space<hbm>> -> memref<8194x1024xf32, #tpu.memory_space<hbm>>
        tpu.wait_indirect_dma semaphore(%arg19 : memref<!tpu.dma_semaphore, #tpu.memory_space<semaphore_mem>>) src(%dma_wait3A_930 : memref<8194x1024xf32, #tpu.memory_space<hbm>>) dst(%arg15 : memref<16x1024xf32, #tpu.memory_space<vmem>>)
      } else {
      }
      %mul3A_911 = arith.constant 16 : i32
      %mul3A_912 = arith.muli %add3A_859, %mul3A_911 : i32
      %add3A_913 = arith.addi %add3A, %mul3A_912 : i32
      %dma_start3A_914 = arith.constant 0 : i32
      %dma_start3A_915 = tpu.memref_slice %arg4[%add3A_913, %dma_start3A_914] : memref<32768x1024xf32, #tpu.memory_space<hbm>> -> memref<16x1024xf32, #tpu.memory_space<hbm>>
      %dma_start3A_916 = arith.constant 0 : i32
      %dma_start3A_917 = tpu.memref_slice %arg4[%add3A_913, %dma_start3A_916] : memref<32768x1024xf32, #tpu.memory_space<hbm>> -> memref<16x1024xf32, #tpu.memory_space<hbm>>
      tpu.enqueue_dma source(%arg14 : memref<16x1024xf32, #tpu.memory_space<vmem>>) target(%dma_start3A_917 : memref<16x1024xf32, #tpu.memory_space<hbm>>) target_semaphore(%arg22 : memref<!tpu.dma_semaphore, #tpu.memory_space<semaphore_mem>>)
      %not3A_918 = arith.constant true
      %not3A_919 = arith.xori %and3A_878, %not3A_918 : i1
      %convert_element_type3A_920 = arith.extui %not3A_919 : i1 to i32
      %cond3A_921 = arith.constant 0 : i32
      %cond3A_922 = arith.cmpi ne, %convert_element_type3A_920, %cond3A_921 : i32
      scf.if %cond3A_922 {
        %mul3A_923 = arith.constant 16 : i32
        %mul3A_924 = arith.muli %add3A_859, %mul3A_923 : i32
        %add3A_925 = arith.addi %add3A_11, %mul3A_924 : i32
        %dma_start3A_926 = arith.constant 0 : i32
        %dma_start3A_927 = tpu.memref_slice %arg4[%add3A_925, %dma_start3A_926] : memref<32768x1024xf32, #tpu.memory_space<hbm>> -> memref<16x1024xf32, #tpu.memory_space<hbm>>
        %dma_start3A_928 = arith.constant 0 : i32
        %dma_start3A_929 = tpu.memref_slice %arg4[%add3A_925, %dma_start3A_928] : memref<32768x1024xf32, #tpu.memory_space<hbm>> -> memref<16x1024xf32, #tpu.memory_space<hbm>>
        tpu.enqueue_dma source(%arg15 : memref<16x1024xf32, #tpu.memory_space<vmem>>) target(%dma_start3A_929 : memref<16x1024xf32, #tpu.memory_space<hbm>>) target_semaphore(%arg23 : memref<!tpu.dma_semaphore, #tpu.memory_space<semaphore_mem>>)
      } else {
      }
    }
    %scan3A_717 = arith.constant 16 : i32
    %get3A_718 = arith.constant 31 : i32
    %get3A_719 = arith.index_cast %get3A_718 : i32 to index
    %get3A_720 = memref.load %arg10[%get3A_719] : memref<64xi32, #tpu.memory_space<smem>>
    %eq3A_721 = arith.constant 1 : i32
    %eq3A_722 = arith.cmpi eq, %get3A_720, %eq3A_721 : i32
    %get3A_723 = arith.constant 63 : i32
    %get3A_724 = arith.index_cast %get3A_723 : i32 to index
    %get3A_725 = memref.load %arg10[%get3A_724] : memref<64xi32, #tpu.memory_space<smem>>
    %eq3A_726 = arith.constant 1 : i32
    %eq3A_727 = arith.cmpi eq, %get3A_725, %eq3A_726 : i32
    %and3A = arith.andi %eq3A_722, %eq3A_727 : i1
    %get3A_728 = arith.constant 31 : i32
    %get3A_729 = arith.index_cast %get3A_728 : i32 to index
    %get3A_730 = memref.load %arg11[%get3A_729] : memref<64xi32, #tpu.memory_space<smem>>
    %get3A_731 = arith.constant 63 : i32
    %get3A_732 = arith.index_cast %get3A_731 : i32 to index
    %get3A_733 = memref.load %arg11[%get3A_732] : memref<64xi32, #tpu.memory_space<smem>>
    %eq3A_734 = arith.cmpi eq, %get3A_730, %get3A_733 : i32
    %and3A_735 = arith.andi %and3A, %eq3A_734 : i1
    %convert_element_type3A = arith.extui %and3A_735 : i1 to i32
    %cond3A = arith.constant 0 : i32
    %cond3A_736 = arith.cmpi ne, %convert_element_type3A, %cond3A : i32
    scf.if %cond3A_736 {
      %add3A_790 = arith.constant 496 : i32
      %add3A_791 = arith.addi %add3A, %add3A_790 : i32
      %dma_wait3A = arith.constant 0 : i32
      %dma_wait3A_792 = tpu.memref_slice %arg4[%add3A_791, %dma_wait3A] : memref<32768x1024xf32, #tpu.memory_space<hbm>> -> memref<16x1024xf32, #tpu.memory_space<hbm>>
      %dma_wait3A_793 = arith.constant 0 : i32
      %dma_wait3A_794 = tpu.memref_slice %arg4[%add3A_791, %dma_wait3A_793] : memref<32768x1024xf32, #tpu.memory_space<hbm>> -> memref<16x1024xf32, #tpu.memory_space<hbm>>
      tpu.wait_dma2 semaphore(%arg22 : memref<!tpu.dma_semaphore, #tpu.memory_space<semaphore_mem>>) src(%arg14 : memref<16x1024xf32, #tpu.memory_space<vmem>>) dst(%dma_wait3A_794 : memref<16x1024xf32, #tpu.memory_space<hbm>>)
      %add3A_795 = arith.constant 496 : i32
      %add3A_796 = arith.addi %add3A_11, %add3A_795 : i32
      %dma_start3A = arith.constant 0 : i32
      %dma_start3A_797 = tpu.memref_slice %arg4[%add3A_796, %dma_start3A] : memref<32768x1024xf32, #tpu.memory_space<hbm>> -> memref<16x1024xf32, #tpu.memory_space<hbm>>
      %dma_start3A_798 = arith.constant 0 : i32
      %dma_start3A_799 = tpu.memref_slice %arg4[%add3A_796, %dma_start3A_798] : memref<32768x1024xf32, #tpu.memory_space<hbm>> -> memref<16x1024xf32, #tpu.memory_space<hbm>>
      tpu.enqueue_dma source(%arg14 : memref<16x1024xf32, #tpu.memory_space<vmem>>) target(%dma_start3A_799 : memref<16x1024xf32, #tpu.memory_space<hbm>>) target_semaphore(%arg23 : memref<!tpu.dma_semaphore, #tpu.memory_space<semaphore_mem>>)
    } else {
    }
    %get3A_737 = arith.constant 30 : i32
    %get3A_738 = arith.index_cast %get3A_737 : i32 to index
    %get3A_739 = memref.load %arg10[%get3A_738] : memref<64xi32, #tpu.memory_space<smem>>
    %eq3A_740 = arith.constant 1 : i32
    %eq3A_741 = arith.cmpi eq, %get3A_739, %eq3A_740 : i32
    %get3A_742 = arith.constant 62 : i32
    %get3A_743 = arith.index_cast %get3A_742 : i32 to index
    %get3A_744 = memref.load %arg10[%get3A_743] : memref<64xi32, #tpu.memory_space<smem>>
    %eq3A_745 = arith.constant 1 : i32
    %eq3A_746 = arith.cmpi eq, %get3A_744, %eq3A_745 : i32
    %and3A_747 = arith.andi %eq3A_741, %eq3A_746 : i1
    %get3A_748 = arith.constant 30 : i32
    %get3A_749 = arith.index_cast %get3A_748 : i32 to index
    %get3A_750 = memref.load %arg11[%get3A_749] : memref<64xi32, #tpu.memory_space<smem>>
    %get3A_751 = arith.constant 62 : i32
    %get3A_752 = arith.index_cast %get3A_751 : i32 to index
    %get3A_753 = memref.load %arg11[%get3A_752] : memref<64xi32, #tpu.memory_space<smem>>
    %eq3A_754 = arith.cmpi eq, %get3A_750, %get3A_753 : i32
    %and3A_755 = arith.andi %and3A_747, %eq3A_754 : i1
    %convert_element_type3A_756 = arith.extui %and3A_755 : i1 to i32
    %cond3A_757 = arith.constant 0 : i32
    %cond3A_758 = arith.cmpi ne, %convert_element_type3A_756, %cond3A_757 : i32
    scf.if %cond3A_758 {
      %add3A_790 = arith.constant 480 : i32
      %add3A_791 = arith.addi %add3A_11, %add3A_790 : i32
      %dma_wait3A = arith.constant 0 : i32
      %dma_wait3A_792 = tpu.memref_slice %arg4[%add3A_791, %dma_wait3A] : memref<32768x1024xf32, #tpu.memory_space<hbm>> -> memref<16x1024xf32, #tpu.memory_space<hbm>>
      %dma_wait3A_793 = arith.constant 0 : i32
      %dma_wait3A_794 = tpu.memref_slice %arg4[%add3A_791, %dma_wait3A_793] : memref<32768x1024xf32, #tpu.memory_space<hbm>> -> memref<16x1024xf32, #tpu.memory_space<hbm>>
      tpu.wait_dma2 semaphore(%arg21 : memref<!tpu.dma_semaphore, #tpu.memory_space<semaphore_mem>>) src(%arg12 : memref<16x1024xf32, #tpu.memory_space<vmem>>) dst(%dma_wait3A_794 : memref<16x1024xf32, #tpu.memory_space<hbm>>)
    } else {
    }
    %not3A = arith.constant true
    %not3A_759 = arith.xori %and3A_755, %not3A : i1
    %convert_element_type3A_760 = arith.extui %not3A_759 : i1 to i32
    %cond3A_761 = arith.constant 0 : i32
    %cond3A_762 = arith.cmpi ne, %convert_element_type3A_760, %cond3A_761 : i32
    scf.if %cond3A_762 {
      %add3A_790 = arith.constant 480 : i32
      %add3A_791 = arith.addi %add3A, %add3A_790 : i32
      %dma_wait3A = arith.constant 0 : i32
      %dma_wait3A_792 = tpu.memref_slice %arg4[%add3A_791, %dma_wait3A] : memref<32768x1024xf32, #tpu.memory_space<hbm>> -> memref<16x1024xf32, #tpu.memory_space<hbm>>
      %dma_wait3A_793 = arith.constant 0 : i32
      %dma_wait3A_794 = tpu.memref_slice %arg4[%add3A_791, %dma_wait3A_793] : memref<32768x1024xf32, #tpu.memory_space<hbm>> -> memref<16x1024xf32, #tpu.memory_space<hbm>>
      tpu.wait_dma2 semaphore(%arg20 : memref<!tpu.dma_semaphore, #tpu.memory_space<semaphore_mem>>) src(%arg12 : memref<16x1024xf32, #tpu.memory_space<vmem>>) dst(%dma_wait3A_794 : memref<16x1024xf32, #tpu.memory_space<hbm>>)
      %add3A_795 = arith.constant 480 : i32
      %add3A_796 = arith.addi %add3A_11, %add3A_795 : i32
      %dma_wait3A_797 = arith.constant 0 : i32
      %dma_wait3A_798 = tpu.memref_slice %arg4[%add3A_796, %dma_wait3A_797] : memref<32768x1024xf32, #tpu.memory_space<hbm>> -> memref<16x1024xf32, #tpu.memory_space<hbm>>
      %dma_wait3A_799 = arith.constant 0 : i32
      %dma_wait3A_800 = tpu.memref_slice %arg4[%add3A_796, %dma_wait3A_799] : memref<32768x1024xf32, #tpu.memory_space<hbm>> -> memref<16x1024xf32, #tpu.memory_space<hbm>>
      tpu.wait_dma2 semaphore(%arg21 : memref<!tpu.dma_semaphore, #tpu.memory_space<semaphore_mem>>) src(%arg13 : memref<16x1024xf32, #tpu.memory_space<vmem>>) dst(%dma_wait3A_800 : memref<16x1024xf32, #tpu.memory_space<hbm>>)
    } else {
    }
    %get3A_763 = arith.constant 31 : i32
    %get3A_764 = arith.index_cast %get3A_763 : i32 to index
    %get3A_765 = memref.load %arg10[%get3A_764] : memref<64xi32, #tpu.memory_space<smem>>
    %eq3A_766 = arith.constant 1 : i32
    %eq3A_767 = arith.cmpi eq, %get3A_765, %eq3A_766 : i32
    %get3A_768 = arith.constant 63 : i32
    %get3A_769 = arith.index_cast %get3A_768 : i32 to index
    %get3A_770 = memref.load %arg10[%get3A_769] : memref<64xi32, #tpu.memory_space<smem>>
    %eq3A_771 = arith.constant 1 : i32
    %eq3A_772 = arith.cmpi eq, %get3A_770, %eq3A_771 : i32
    %and3A_773 = arith.andi %eq3A_767, %eq3A_772 : i1
    %get3A_774 = arith.constant 31 : i32
    %get3A_775 = arith.index_cast %get3A_774 : i32 to index
    %get3A_776 = memref.load %arg11[%get3A_775] : memref<64xi32, #tpu.memory_space<smem>>
    %get3A_777 = arith.constant 63 : i32
    %get3A_778 = arith.index_cast %get3A_777 : i32 to index
    %get3A_779 = memref.load %arg11[%get3A_778] : memref<64xi32, #tpu.memory_space<smem>>
    %eq3A_780 = arith.cmpi eq, %get3A_776, %get3A_779 : i32
    %and3A_781 = arith.andi %and3A_773, %eq3A_780 : i1
    %convert_element_type3A_782 = arith.extui %and3A_781 : i1 to i32
    %cond3A_783 = arith.constant 0 : i32
    %cond3A_784 = arith.cmpi ne, %convert_element_type3A_782, %cond3A_783 : i32
    scf.if %cond3A_784 {
      %add3A_790 = arith.constant 496 : i32
      %add3A_791 = arith.addi %add3A_11, %add3A_790 : i32
      %dma_wait3A = arith.constant 0 : i32
      %dma_wait3A_792 = tpu.memref_slice %arg4[%add3A_791, %dma_wait3A] : memref<32768x1024xf32, #tpu.memory_space<hbm>> -> memref<16x1024xf32, #tpu.memory_space<hbm>>
      %dma_wait3A_793 = arith.constant 0 : i32
      %dma_wait3A_794 = tpu.memref_slice %arg4[%add3A_791, %dma_wait3A_793] : memref<32768x1024xf32, #tpu.memory_space<hbm>> -> memref<16x1024xf32, #tpu.memory_space<hbm>>
      tpu.wait_dma2 semaphore(%arg23 : memref<!tpu.dma_semaphore, #tpu.memory_space<semaphore_mem>>) src(%arg14 : memref<16x1024xf32, #tpu.memory_space<vmem>>) dst(%dma_wait3A_794 : memref<16x1024xf32, #tpu.memory_space<hbm>>)
    } else {
    }
    %not3A_785 = arith.constant true
    %not3A_786 = arith.xori %and3A_781, %not3A_785 : i1
    %convert_element_type3A_787 = arith.extui %not3A_786 : i1 to i32
    %cond3A_788 = arith.constant 0 : i32
    %cond3A_789 = arith.cmpi ne, %convert_element_type3A_787, %cond3A_788 : i32
    scf.if %cond3A_789 {
      %add3A_790 = arith.constant 496 : i32
      %add3A_791 = arith.addi %add3A, %add3A_790 : i32
      %dma_wait3A = arith.constant 0 : i32
      %dma_wait3A_792 = tpu.memref_slice %arg4[%add3A_791, %dma_wait3A] : memref<32768x1024xf32, #tpu.memory_space<hbm>> -> memref<16x1024xf32, #tpu.memory_space<hbm>>
      %dma_wait3A_793 = arith.constant 0 : i32
      %dma_wait3A_794 = tpu.memref_slice %arg4[%add3A_791, %dma_wait3A_793] : memref<32768x1024xf32, #tpu.memory_space<hbm>> -> memref<16x1024xf32, #tpu.memory_space<hbm>>
      tpu.wait_dma2 semaphore(%arg22 : memref<!tpu.dma_semaphore, #tpu.memory_space<semaphore_mem>>) src(%arg14 : memref<16x1024xf32, #tpu.memory_space<vmem>>) dst(%dma_wait3A_794 : memref<16x1024xf32, #tpu.memory_space<hbm>>)
      %add3A_795 = arith.constant 496 : i32
      %add3A_796 = arith.addi %add3A_11, %add3A_795 : i32
      %dma_wait3A_797 = arith.constant 0 : i32
      %dma_wait3A_798 = tpu.memref_slice %arg4[%add3A_796, %dma_wait3A_797] : memref<32768x1024xf32, #tpu.memory_space<hbm>> -> memref<16x1024xf32, #tpu.memory_space<hbm>>
      %dma_wait3A_799 = arith.constant 0 : i32
      %dma_wait3A_800 = tpu.memref_slice %arg4[%add3A_796, %dma_wait3A_799] : memref<32768x1024xf32, #tpu.memory_space<hbm>> -> memref<16x1024xf32, #tpu.memory_space<hbm>>
      tpu.wait_dma2 semaphore(%arg23 : memref<!tpu.dma_semaphore, #tpu.memory_space<semaphore_mem>>) src(%arg15 : memref<16x1024xf32, #tpu.memory_space<vmem>>) dst(%dma_wait3A_800 : memref<16x1024xf32, #tpu.memory_space<hbm>>)
    } else {
    }
    return
  }
}

</mosaic_0001>

<sc_bundles>
// kernel: _sc_embed.3.cloned.1.call-start
scs
__scs_entry_jumppad:
0x0: {  	(pc) =	sbr.rel $0x88, $3  }
0x1: {  	(tag) =	ssettag $0x0;
	lr =	simm.s32 $0x1  }
0x2: {  	[smem:$0x3F9F] =	sst lr;
	_ =	strace $0xD0000000  }
0x3: {  	_ = 	snop  }
0x4: {  	_ = 	snop  }
0x5: {  	_ = 	snop  }
0x6: {  	_ = 	snop  }
0x7: {  	_ = 	snop  }
__scs_overlays_trampoline_lowered:
0x8: {  	[smem:$0x3FAE] =	sst s0  }
0x9: {  	[smem:$0x3FAF] =	sst s1  }
0xa: {  	[smem:$0x3FB0] =	sst s2  }
0xb: {  	[smem:$0x3FB1] =	sst s3  }
0xc: {  	[smem:$0x3FB2] =	sst s4  }
0xd: {  	[smem:$0x3FB3] =	sst s5  }
0xe: {  	[smem:$0x3FB4] =	sst s6  }
0xf: {  	[smem:$0x3FB5] =	sst s7  }
0x10: {  	[smem:$0x3FB6] =	sst s8  }
0x11: {  	[smem:$0x3FB7] =	sst s9;
	s0 =	simm.s32 @!p0 $0x0  }
0x12: {  	s1 =	sld [smem:$0x3F9D];
	s0 =	simm.s32 @p0 $0x1  }
0x13: {  	[smem:$0x3FB8] =	sst s0;
	s0 =	simm.s32 @!p1 $0x0  }
0x14: {  	s2 =	sld [smem:$0x3F9C];
	s0 =	simm.s32 @p1 $0x1  }
0x15: {  	[smem:$0x3FB9] =	sst s0;
	s0 =	simm.s32 @!p2 $0x0  }
0x16: {  	s3 =	sld [smem:$0x3FDB];
	s0 =	simm.s32 @p2 $0x1  }
0x17: {  	s4 =	simm.s32 $0x1BF5;
	[smem:$0x3FBB] =	sst s0  }
0x18: {  	s0 =	sld [smem:$0x3F9E];
	_ =	swait.ge [sflag:s4], $0x0  }
0x19: {  	s7 =	sld [smem:$0x3F9F]  }
0x1a: {  	s8 =	sadd.s32 $0xFFFFE003, lr  }
0x1b: {  	s9 =	sadd.s32 $0xFFFFFEF7, lr;
	s5 =	simm.s32 $0xFFFFFFFF;
	p2 =	slt.u32 s8, $0xFFFFF086  }
0x1c: {  	p1 =	slt.u32 s9, $0xF7A;
	s5 =	simm.s32 @!p2 $0x0  }
0x1d: {  	s5 =	simm.s32 @p1 $0x1;
	p0 =	seq.s32 s7, s2  }
0x1e: {  	s7 =	smul.u32 @!p0 $0xF7A, s2;
	p2 =	seq.s32 @!p0 s5, $0x0  }
0x1f: {  	s9 =	smul.u32 $0xF7A, s1;
	s8 =	simm.s32 @!p0 $0x1BF5;
	p2 =	por !p2, p0  }
0x20: {  	[sflag:s8] =	ssyncset.s32 @!p0 $0xFFFFF086;
	s6 =	sadd.s32 @!p0 s3, s7;
	s7 =	simm.s32 @!p0 $0x108  }
0x21: {  	s3 =	sadd.s32 s3, s9;
	s6 =	sadd.s32 @!p0 $0x88, s6;
	s7 =	simm.s32 @p2 $0x1082  }
0x22: {  	[simem:s7], [sflag:s8] =	dma.local @!p0 [hbm:s6], $0xF7A  }
0x23: {  	s9 =	sor.u32 $0xD0000000, s2;
	s6 =	simm.s32 $0x108;
	_ =	swait.ge @!p0 [sflag:s8], $0x0  }
0x24: {  	s3 =	sadd.s32 $0x88, s3;
	s6 =	simm.s32 @!p1 $0x1082;
	[sflag:s4] =	ssyncset.s32 $0xFFFFF086  }
0x25: {  	[simem:s6], [sflag:s4] =	dma.local [hbm:s3], $0xF7A  }
0x26: {  	[smem:$0x3F9F] =	sst s1;
	(tag) =	ssettag s2;
	_ =	strace s9  }
0x27: {  	s1 =	sld [smem:$0x3FAF]  }
0x28: {  	s2 =	sld [smem:$0x3FB0]  }
0x29: {  	s4 =	sld [smem:$0x3FB2]  }
0x2a: {  	p0 =	seq.s32 s5, $0x0;
	s5 =	sld [smem:$0x3FB3]  }
0x2b: {  	s6 =	sld [smem:$0x3FB4]  }
0x2c: {  	s7 =	sld [smem:$0x3FB5]  }
0x2d: {  	s3 =	simm.s32 $0x108;
	s8 =	sld [smem:$0x3FB6]  }
0x2e: {  	s3 =	simm.s32 @!p0 $0x1082;
	s9 =	sld [smem:$0x3FB7]  }
0x2f: {  	lr =	sadd.s32 s0, s3;
	s0 =	sld [smem:$0x3FAE]  }
0x30: {  	s3 =	sld [smem:$0x3FB1]  }
0x31: {  	[smem:$0x3FBA] =	sst s10  }
0x32: {  	s10 =	sld [smem:$0x3FB8];
	_ =	sdelay $0x3  }
0x33: {  	p0 =	seq.s32 s10, $0x1;
	s10 =	sld [smem:$0x3FBA];
	_ =	sdelay $0x3  }
0x34: {  	[smem:$0x3FBA] =	sst s10  }
0x35: {  	s10 =	sld [smem:$0x3FB9];
	_ =	sdelay $0x3  }
0x36: {  	p1 =	seq.s32 s10, $0x1;
	s10 =	sld [smem:$0x3FBA];
	_ =	sdelay $0x3  }
0x37: {  	[smem:$0x3FBA] =	sst s10  }
0x38: {  	s10 =	sld [smem:$0x3FBB]  }
0x39: {  	_ = 	snop;
	(pc) =	sbr.ind lr, $3  }
0x3a: {  	_ = 	snop  }
0x3b: {  	_ = 	snop  }
0x3c: {  	p2 =	seq.s32 s10, $0x1;
	s10 =	sld [smem:$0x3FBA]  }
0x3d: {  	_ =	shalt  }
0x3e: {  	_ =	shalt  }
0x3f: {  	_ =	shalt  }
0x40: {  	_ =	shalt  }
0x41: {  	_ =	shalt  }
0x42: {  	_ =	shalt  }
0x43: {  	_ =	shalt  }
0x44: {  	_ =	shalt  }
0x45: {  	_ =	shalt  }
0x46: {  	_ =	shalt  }
0x47: {  	_ =	shalt  }
0x48: {  	_ =	shalt  }
0x49: {  	_ =	shalt  }
0x4a: {  	_ =	shalt  }
0x4b: {  	_ =	shalt  }
0x4c: {  	_ =	shalt  }
0x4d: {  	_ =	shalt  }
0x4e: {  	_ =	shalt  }
0x4f: {  	_ =	shalt  }
0x50: {  	_ =	shalt  }
0x51: {  	_ =	shalt  }
0x52: {  	_ =	shalt  }
0x53: {  	_ =	shalt  }
0x54: {  	_ =	shalt  }
0x55: {  	_ =	shalt  }
0x56: {  	_ =	shalt  }
0x57: {  	_ =	shalt  }
0x58: {  	_ =	shalt  }
0x59: {  	_ =	shalt  }
0x5a: {  	_ =	shalt  }
0x5b: {  	_ =	shalt  }
0x5c: {  	_ =	shalt  }
0x5d: {  	_ =	shalt  }
0x5e: {  	_ =	shalt  }
0x5f: {  	_ =	shalt  }
0x60: {  	_ =	shalt  }
0x61: {  	_ =	shalt  }
0x62: {  	_ =	shalt  }
0x63: {  	_ =	shalt  }
0x64: {  	_ =	shalt  }
0x65: {  	_ =	shalt  }
0x66: {  	_ =	shalt  }
0x67: {  	_ =	shalt  }
0x68: {  	_ =	shalt  }
0x69: {  	_ =	shalt  }
0x6a: {  	_ =	shalt  }
0x6b: {  	_ =	shalt  }
0x6c: {  	_ =	shalt  }
0x6d: {  	_ =	shalt  }
0x6e: {  	_ =	shalt  }
0x6f: {  	_ =	shalt  }
0x70: {  	_ =	shalt  }
0x71: {  	_ =	shalt  }
0x72: {  	_ =	shalt  }
0x73: {  	_ =	shalt  }
0x74: {  	_ =	shalt  }
0x75: {  	_ =	shalt  }
0x76: {  	_ =	shalt  }
0x77: {  	_ =	shalt  }
0x78: {  	_ =	shalt  }
0x79: {  	_ =	shalt  }
0x7a: {  	_ =	shalt  }
0x7b: {  	_ =	shalt  }
0x7c: {  	_ =	shalt  }
0x7d: {  	_ =	shalt  }
0x7e: {  	_ =	shalt  }
0x7f: {  	_ =	shalt  }
0x80: {  	_ =	shalt  }
0x81: {  	_ =	shalt  }
0x82: {  	_ =	shalt  }
0x83: {  	_ =	shalt  }
0x84: {  	_ =	shalt  }
0x85: {  	_ =	shalt  }
0x86: {  	_ =	shalt  }
0x87: {  	_ =	shalt  }
.Lfunc_end0:
.L_simem_size_0:
called_computation_lowered:
.L_overlay_start_0:
0x88: {  	s2 =	sld [smem:$0x3FD9]  }
0x89: {  	s3 =	sld [smem:$0x3FFE];
	_ =	sdelay $0x1  }
0x8a: {  	s1 =	srdreg.scid  }
0x8b: {  	s0 =	sand.u32 $0x1, s1  }
0x8c: {  	s18 =	sshll.u32 s0, $0xA;
	s2 =	sadd.s32 s3, s2  }
0x8d: {  	s2 =	sadd.s32 s2, s18  }
0x8e: {  	[smem:$0x3FC6] =	sst s2  }
0x8f: {  	_ = 	snop  }
0x90: {  	s2 =	sld [smem:$0x3FC9]  }
0x91: {  	s19 =	sld [smem:$0x3FC8]  }
0x92: {  	s4 =	sld [smem:$0x3FD0];
	(tm) =	ssettm $0x1  }
0x93: {  	s5 =	sld [smem:$0x3FFB];
	_ =	sdelay $0x3  }
0x94: {  	_ =	strace s5  }
0x95: {  	s5 =	sld [smem:$0x3FFC];
	_ =	sdelay $0x3  }
0x96: {  	_ =	strace s5  }
0x97: {  	s5 =	sld [smem:$0x3FFD];
	_ =	sdelay $0x3  }
0x98: {  	_ =	strace s5  }
0x99: {  	_ =	strace $0x8FFFFFFF  }
0x9a: {  	s20 =	sld [smem:$0x3FDB];
	_ =	sdelay $0x1  }
0x9b: {  	s6 =	simm.s32 $_scs_section_size  }
0x9c: {  	s7 =	simm.s32 $_size__tile_overlayer_lowered;
	s8 =	simm.s32 $_tile_overlayer_lowered  }
0x9d: {  	s23 =	simm.s32 $0x1BFF;
	s22 =	sshll.u32 s8, $0x1;
	s5 =	sadd.s32 s6, s20  }
0x9e: {  	s9 =	simm.s32 $0x0;
	s21 =	sshll.u32 s7, $0x1;
	s7 =	sadd.s32 s22, s5  }
0x9f: {  	[timem:s9], [sflag:s23] =	dma.local [hbm:s7], s21  }
0xa0: {  	_ =	swait.ge [sflag:s23], s21  }
0xa1: {  	s6 =	ssub.s32 $0x0, s21;
	[sflag:s23] =	ssyncset.done $0x0  }
0xa2: {  	[sflag:s23] =	ssyncadd.s32 s6;
	_ =	sdelay $0x1  }
0xa3: {  	s24 =	simm.s32 $0x1B8B  }
0xa4: {  	_ =	swait.ge [sflag:s24], $0x1  }
0xa5: {  	[sflag:s24] =	ssyncset.done $0x0  }
0xa6: {  	s25 =	simm.s32 $0x1B8E;
	[sflag:s24] =	ssyncadd.s32 $0xFFFFFFFF  }
0xa7: {  	s26 =	simm.s32 $execute0_lowered;
	[smem:$0x3FD2] =	sst s25  }
0xa8: {  	s6 =	sshll.u32 s26, $0x1;
	_ =	strace $0x80000046;
	[dreg:$0x1] =	wrdreg $0xFFFFFFFF  }
0xa9: {  	s28 =	simm.s32 $_size_execute0_lowered;
	s5 =	sadd.s32 s5, s6;
	[dreg:$0x0] =	wrdreg $0x0  }
0xaa: {  	s6 =	sshll.u32 s28, $0x1;
	[dreg:$0x2] =	wrdreg s5  }
0xab: {  	[dreg:$0x3] =	wrdreg s6  }
0xac: {  	[dreg:$0x4] =	wrdreg $0xC0  }
0xad: {  	_ =	task [dreg:s9], $0x5FFFF  }
0xae: {  	[dreg:$0x1] =	wrdreg $0xFFFFFFFF  }
0xaf: {  	[dreg:$0x0] =	wrdreg $0x60  }
0xb0: {  	[dreg:$0x2] =	wrdreg s2  }
0xb1: {  	[dreg:$0x3] =	wrdreg s19  }
0xb2: {  	[dreg:$0x4] =	wrdreg s4  }
0xb3: {  	[dreg:$0x5] =	wrdreg $0x18800  }
0xb4: {  	[dreg:$0x6] =	wrdreg $0x9  }
0xb5: {  	_ =	task.clear_ibuf [dreg:s9], $0x7FFFF;
	_ =	strace $0x90000046  }
0xb6: {  	s29 =	simm.s32 $0x9;
	_ =	strace $0x80000048  }
0xb7: {  	_ =	swait.ge [sflag:s29], $0x1  }
0xb8: {  	[sflag:s29] =	ssyncadd.s32 $0xFFFFFFFF  }
0xb9: {  	_ =	strace $0x90000048  }
0xba: {  	_ =	sfence  }
0xbb: {  	s30 =	sld [smem:$0x0];
	_ =	sdelay $0x2  }
0xbc: {  	s31 =	sshll.u32 s1, $0xD;
	s1 =	sshrl.u32 s1, $0x2  }
0xbd: {  	s3 =	sand.u32 $0x4000, s31;
	s1 =	sadd.s32 s1, s30  }
0xbe: {  	s0 =	sor.u32 s3, s0;
	s1 =	sshll.u32 s1, $0x11  }
0xbf: {  	s0 =	sor.u32 s1, s0  }
0xc0: {  	s0 =	sadd.s32 $0x8F2B, s0  }
0xc1: {  	[sflag:s0] =	ssyncadd.remote.s32 $0x1  }
0xc2: {  	_ =	sfence.sel $0xFFFF  }
0xc3: {  	[dreg:$0x0] =	wrdreg $0xFFFFFFFF;
	(pc) =	sbr.abs _section_cstart, $3  }
0xc4: {  	[dreg:$0x1] =	wrdreg $0xFFFFFFFF  }
0xc5: {  	_ =	task.clear_ibuf [dreg:s9], $0x2FFFF;
	_ =	strace $0x9FFFFFFF  }
0xc6: {  	(tm) =	ssettm $0x7FFFFFFF  }
0xc7: {  	_ =	shalt  }
tec
execute0_lowered:
.L_overlay_start_1:
0x0: {  	(tag) =	ssettag $0x1  }
0x1: {  	s1 =	rddreg [dreg:$0x0]  }
0x2: {  	s2 =	rddreg [dreg:$0x1]  }
0x3: {  	s0 =	rddreg [dreg:$0x2];
	v0 =	vimm.s32 $0x0;
	v1 =	vlaneseq.u32;
	v3 =	vimm.s32 $0x65432100  }
0x4: {  	s10 =	rddreg [dreg:$0x3];
	s12 =	stileid.u32;
	s4 =	simm.s32 $0x0;
	v4 =	vimm.s32 $0xEDCBA987;
	v5 =	vimm.s32 $0xDCBA9876;
	v6 =	vimm.s32 $0xBA987654  }
0x5: {  	s3 =	srdreg.scid;
	v7 =	vimm.s32 $0xE40000;
	v8 =	vimm.s32 $0x32100000;
	vm1 =	vmmov $0x3;
	s29 =	simm.s32 $0x98A0;
	s30 =	simm.s32 $0xA0A0  }
0x6: {  	vm2 =	vmmov $0xf;
	vm3 =	vcmask $0x3F30;
	s31 =	simm.s32 $0xA8A0;
	s17 =	simm.s32 $0xC8A0;
	s19 =	simm.s32 $0xD0A0;
	v10 =	vimm.s32 $0x0  }
0x7: {  	vm9 =	vmmov $0xffff;
	vm12 =	vcmask $0x70C;
	vm13 =	vcmask $0xB10;
	[smem:$0x7FF] =	sst s4;
	s3 =	sand.u32 $0x1, s3;
	s6 =	sshll.u32 s12, $0x9  }
0x8: {  	vm14 =	vcmask $0xF14;
	vm15 =	vcmask $0x1318;
	vm6 =	vcmask $0x1B20;
	s25 =	sshll.u32 s12, $0x13;
	s11 =	sadd.s32 $0x300, s2;
	s28 =	sshll.u32 s12, $0x10  }
0x9: {  	vm7 =	vcmask $0x1F24;
	v2 =	vmov s12;
	v3 =	vunpack.c.l.s4.s8 v3;
	s12 =	simm.s32 $0x8;
	s5 =	ssub.s32 $0x2, s3;
	s7 =	sshll.u32 s3, $0xE  }
0xa: {  	v4 =	vunpack.c.l.s4.s8 v4;
	_ =	strace $0x80000047;
	vm0 =	vgt.u32 v2, v1;
	v2 =	vimm.s32 $0x0;
	s24 =	sshll.u32 s3, $0x18;
	s3 =	sshll.u32 s3, $0x15  }
0xb: {  	v5 =	vunpack.c.l.s4.s8 v5;
	v6 =	vunpack.c.l.s4.s8 v6;
	s8 =	sshrl.u32 s5, $0x1;
	s7 =	sor.u32 s6, s7;
	v2 =	vsel vm0, $0xFFFFFFFF, v2;
	s6 =	sshrl.u32 s6, $0x2  }
0xc: {  	v7 =	vunpack.c.l.s2.s4 v7;
	v8 =	vunpack.c.l.s4.s8 v8;
	s26 =	sor.u32 s25, s24;
	s3 =	sadd.s32 s3, s0;
	[tilespmem:$0x1FFD0] =	vst v2;
	v2 =	vimm.s32 $0x54321000;
	s5 =	ssub.s32 s5, s8  }
0xd: {  	v3 =	vunpack.c.0.s8.s32 v3;
	v4 =	vunpack.c.0.s8.s32 v4;
	s21 =	sor.u32 $0x2000, s7;
	s7 =	sshrl.u32 s7, $0x3;
	s6 =	sadd.s32 s6, s10;
	v2 =	vunpack.c.l.s4.s8 v2  }
0xe: {  	v5 =	vunpack.c.0.s8.s32 v5;
	v6 =	vunpack.c.0.s8.s32 v6;
	v7 =	vunpack.c.l.s4.s8 v7;
	s10 =	sadd.s32 $0x200, s2;
	s14 =	sadd.s32 s28, s3;
	s8 =	simm.s32 $0x9  }
0xf: {  	vm0 =	vmmov $0x1;
	s3 =	simm.s32 $0xC0A0;
	s9 =	sshrl.u32 s21, $0x3;
	s7 =	sadd.s32 s1, s7;
	v4 =	vand.u32 $0xF, v4;
	v9 =	vunpack.c.0.s8.s32 v2  }
0x10: {  	[dreg:$0x5] =	wrdreg s6;
	s22 =	sadd.s32 $0x800, s6;
	s23 =	sshll.u32 s21, $0x7;
	v5 =	vand.u32 $0xF, v5;
	v2 =	vcombine.low v3, v4;
	v4 =	vunpack.c.0.s8.s32 v8  }
0x11: {  	s5 =	smax.u32 s5, $0x1;
	v7 =	vunpack.c.0.s8.s32 v7;
	[dreg:$0x6] =	wrdreg s7;
	s1 =	sadd.s32 s1, s9;
	v3 =	vcombine.low v9, v5;
	v5 =	vand.u32 $0xF, v6  }
.Ltmp0:
0x12: {  	[dreg:$0x7] =	wrdreg s1;
	s1 =	sadd.s32 s23, s0;
	v8 =	vshrl.u32 v1, $0x3;
	v6 =	vimm.s32 $0x7060504;
	v4 =	vcombine.low v4, v5;
	(pc) =	sbr.rel .LBB2_1-.Ltmp0, $4  }
0x13: {  	s6 =	simm.s32 $0x0;
	[dreg:$0x8] =	wrdreg s22;
	s1 =	sadd.s32 $0xF800, s1;
	v5 =	vunpack.c.0.s8.s32 v6;
	v6 =	vand.u32 $0x3, v7;
	v7 =	vimm.s32 $0x0  }
0x14: {  	s9 =	sadd.s32 $0x100, s2;
	v8 =	vmul.u32 $0x8, v8;
	[dreg:$0x9] =	wrdreg s1;
	s1 =	sadd.s32 $0x7FC000, s26;
	v7 =	vsel vm0, $0xFFFFFFFF, v7;
	vm0 =	vmmov $0x7fff  }
0x15: {  	[dreg:$0xa] =	wrdreg s5;
	s7 =	simm.s32 $0x6;
	v9 =	vor.u32 $0x8, v1;
	s1 =	sshrl.u32 s1, $0x3;
	v5 =	vsel vm3, v5, v6;
	[tilespmem:$0x1FFE0] =	vst v7;
	v10 =	vsel vm0, $0xFFFFFFFF, v10  }
0x16: {  	s15 =	sadd.s32 s1, s0;
	s0 =	simm.s32 $0xB0A0;
	s1 =	simm.s32 $0xB8A0;
	vm3 =	vmmov $0xff;
	v6 =	vimm.s32 $0xF;
	v7 =	vand.u32 $0x7, v1;
	[tilespmem:$0x1FFF0] =	vst v10  }
.LBB2_15:
0x17: {  	s6 =	sld [smem:$0x1F]  }
0x18: {  	s8 =	sld [smem:$0x3F]  }
0x19: {  	s5 =	sld [smem:$0x9F]  }
0x1a: {  	p0 =	sne.s32 s6, $0x1;
	s6 =	sld [smem:$0xBF]  }
0x1b: {  	p1 =	sne.s32 @!p0 s8, $0x1  }
0x1c: {  	p2 =	por p1, p0  }
0x1d: {  	p2 =	sne.s32 @!p2 s5, s6  }
0x1e: {  	p2 =	por @!p0 p2, p1  }
0x1f: {  	p2 =	por p2, p0  }
0x20: {  	s8 =	simm.s32 @!p2 $0x7  }
0x21: {  	_ =	swait.ge @!p2 [sflag:s8], $0x4000  }
0x22: {  	s13 =	simm.s32 @!p2 $0x98A0;
	[sflag:s8] =	ssyncset.done @!p2 $0x0  }
0x23: {  	s16 =	rddreg [dreg:$0x9];
	[sflag:s8] =	ssyncadd.s32 @!p2 $0xFFFFC000;
	s8 =	simm.s32 @!p2 $0x0  }
0x24: {  	[hbm4b:s16+s8] =	stream.linear.scatter @!p2 [tilespmem:s13], [sflag:$0x8], $0x4000, $0x38;
	[tilespmem:$0x118A0] =	vst v63  }
0x25: {  	s25 =	sld [smem:$0x1E]  }
0x26: {  	s13 =	sld [smem:$0x3E]  }
0x27: {  	s16 =	sld [smem:$0x9E]  }
0x28: {  	s8 =	sld [smem:$0xBE];
	p2 =	sne.s32 s25, $0x1  }
0x29: {  	p3 =	sne.s32 @!p2 s13, $0x1  }
0x2a: {  	p2 =	por p2, p3  }
0x2b: {  	p3 =	seq.s32 @!p2 s16, s8  }
0x2c: {  	p2 =	por p2, !p3  }
0x2d: {  	s8 =	simm.s32 @p2 $0x5  }
0x2e: {  	_ =	swait.ge @p2 [sflag:s8], $0x4000  }
0x2f: {  	[sflag:s8] =	ssyncset.done @p2 $0x0  }
0x30: {  	p0 =	por p0, p1;
	[sflag:s8] =	ssyncadd.s32 @p2 $0xFFFFC000  }
0x31: {  	p1 =	seq.s32 @!p0 s5, s6;
	_ =	swait.ge [sflag:s7], $0x4000  }
0x32: {  	p0 =	por p0, !p1;
	[sflag:s7] =	ssyncset.done $0x0  }
0x33: {  	s5 =	simm.s32 @p0 $0x7;
	[sflag:s7] =	ssyncadd.s32 $0xFFFFC000  }
0x34: {  	s26 =	rddreg [dreg:$0xb];
	_ =	swait.ge @p0 [sflag:s5], $0x4000  }
0x35: {  	[sflag:s5] =	ssyncset.done @p0 $0x0  }
0x36: {  	[sflag:s5] =	ssyncadd.s32 @p0 $0xFFFFC000  }
0x37: {  	_ =	swait.ge [sflag:s12], $0x4000  }
0x38: {  	s6 =	sadd.s32 $0x1, s26;
	s28 =	rddreg [dreg:$0xa]  }
0x39: {  	p0 =	sne.s32 s6, s28  }
.Ltmp1:
0x3a: {  	_ = 	snop;
	(pc) =	sbr.rel @!p0 .LBB2_16-.Ltmp1, $3  }
0x3b: {  	_ =	sdelay $0x1  }
0x3c: {  	[sflag:s12] =	ssyncset.done $0x0  }
0x3d: {  	s8 =	simm.s32 $0x9;
	[sflag:s12] =	ssyncadd.s32 $0xFFFFC000  }
.LBB2_1:
0x3e: {  	[dreg:$0xb] =	wrdreg s6  }
0x3f: {  	s5 =	rddreg [dreg:$0x6]  }
0x40: {  	[tilespmem:s4], [sflag:$0x9] =	stream.linear.gather [hbm4b:s5+s4], $0x200, $0x38;
	[tilespmem:$0x118A0] =	vst v63  }
0x41: {  	_ =	swait.ge [sflag:s8], $0x200  }
0x42: {  	[sflag:s8] =	ssyncset.done $0x0  }
0x43: {  	s26 =	simm.s32 $0x200;
	s25 =	rddreg [dreg:$0x7];
	[sflag:s8] =	ssyncadd.s32 $0xFFFFFE00  }
0x44: {  	[tilespmem:s26], [sflag:$0x9] =	stream.linear.gather [hbm4b:s25+s4], $0x200, $0x38;
	[tilespmem:$0x118A0] =	vst v63  }
0x45: {  	_ =	swait.ge [sflag:s8], $0x200  }
0x46: {  	[sflag:s8] =	ssyncset.done $0x0  }
0x47: {  	s28 =	simm.s32 $0x0;
	[sflag:s8] =	ssyncadd.s32 $0xFFFFFE00  }
0x48: {  	v11 =	vld [tilespmem:s28+$0x0]  }
0x49: {  	v10 =	vimm.s32 $0x0;
	s5 =	simm.s32 $0x40  }
.LBB2_2:
0x4a: {  	p0 =	sne.s32 s5, $0x7C0  }
.Ltmp2:
0x4b: {  	_ = 	snop;
	(pc) =	sbr.rel @p0 .LBB2_2-.Ltmp2, $4  }
0x4c: {  	_ = 	snop  }
0x4d: {  	s6 =	sshra.s32 s5, $0x2;
	s5 =	sadd.s32 $0x40, s5;
	vm10 =	vne.s32 v11, $0x1  }
0x4e: {  	v11 =	vld [tilespmem:s6+$0x0];
	v12 =	vsel vm10, $0x1, v0  }
0x4f: {  	v10 =	vadd.s32 v12, v10  }
0x50: {  	_ =	sdelay $0x2  }
0x51: {  	s6 =	simm.s32 $0x0;
	vm10 =	vne.s32 v11, $0x1  }
0x52: {  	v12 =	vld [tilespmem:s6+$0x200];
	v11 =	vsel vm10, $0x1, v0  }
0x53: {  	s5 =	simm.s32 $0x40;
	v10 =	vadd.s32 v11, v10;
	v11 =	vimm.s32 $0x0  }
.LBB2_4:
0x54: {  	p0 =	sne.s32 s5, $0x7C0  }
.Ltmp3:
0x55: {  	_ = 	snop;
	(pc) =	sbr.rel @p0 .LBB2_4-.Ltmp3, $4  }
0x56: {  	_ = 	snop  }
0x57: {  	s6 =	sshra.s32 s5, $0x2;
	s5 =	sadd.s32 $0x40, s5;
	vm10 =	vne.s32 v12, $0x1  }
0x58: {  	v12 =	vld [tilespmem:s6+$0x200];
	v13 =	vsel vm10, $0x1, v0  }
0x59: {  	v11 =	vadd.s32 v13, v11  }
0x5a: {  	_ = 	snop  }
0x5b: {  	v13 =	vperm.xlane v10, v2  }
0x5c: {  	vm10 =	veq.s32 v1, $0x0  }
0x5d: {  	vm11 =	vne.s32 v12, $0x1;
	v12 =	vsel vm10, $0x0, v13  }
0x5e: {  	v13 =	vsel vm11, $0x1, v0;
	v10 =	vadd.s32 v10, v12  }
0x5f: {  	v11 =	vadd.s32 v13, v11;
	v12 =	vperm.xlane v10, v3  }
0x60: {  	v13 =	vperm.xlane v11, v2  }
0x61: {  	v12 =	vsel vm1, $0x0, v12  }
0x62: {  	v10 =	vadd.s32 v12, v10;
	v12 =	vsel vm10, $0x0, v13  }
0x63: {  	v13 =	vperm.xlane v10, v4;
	v11 =	vadd.s32 v11, v12  }
0x64: {  	v12 =	vperm.xlane v11, v3  }
0x65: {  	v13 =	vsel vm2, $0x0, v13  }
0x66: {  	v10 =	vadd.s32 v13, v10;
	v12 =	vsel vm1, $0x0, v12  }
0x67: {  	v13 =	vperm.xlane v10, v5;
	v11 =	vadd.s32 v12, v11  }
0x68: {  	v12 =	vperm.xlane v11, v4  }
0x69: {  	v13 =	vsel vm3, $0x0, v13  }
0x6a: {  	v10 =	vadd.s32 v13, v10;
	v12 =	vsel vm2, $0x0, v12  }
0x6b: {  	v10 =	vperm.xlane v10, v6;
	v11 =	vadd.s32 v12, v11  }
0x6c: {  	v12 =	vperm.xlane v11, v5  }
0x6d: {  	s5 =	rddreg [dreg:$0x5];
	s6 =	simm.s32 $0x800;
	[tilespmem:$0x800] =	vst v10  }
0x6e: {  	[spmem:s5] =	stream.linear.scatter [tilespmem:s6], [sflag:$0x9], $0x80, $0x38;
	v10 =	vsel vm3, $0x0, v12;
	[tilespmem:$0x118A0] =	vst v63  }
0x6f: {  	_ =	swait.ge [sflag:s8], $0x80;
	v10 =	vadd.s32 v10, v11  }
0x70: {  	[sflag:s8] =	ssyncset.done $0x0;
	v10 =	vperm.xlane v10, v6  }
0x71: {  	[sflag:s8] =	ssyncadd.s32 $0xFFFFFF80  }
0x72: {  	s25 =	rddreg [dreg:$0x8];
	[tilespmem:$0x800] =	vst v10  }
0x73: {  	[spmem:s25] =	stream.linear.scatter [tilespmem:s6], [sflag:$0x9], $0x80, $0x38;
	[tilespmem:$0x118A0] =	vst v63  }
0x74: {  	_ =	swait.ge [sflag:s8], $0x80  }
0x75: {  	[sflag:s8] =	ssyncset.done $0x0  }
0x76: {  	[sflag:s8] =	ssyncadd.s32 $0xFFFFFF80  }
0x77: {  	[bflag:$0x0] =	sbarrier.arrive $0xFFFF  }
0x78: {  	s28 =	simm.s32 $0x880;
	s26 =	rddreg [dreg:$0x3]  }
0x79: {  	[tilespmem:s28], [sflag:$0x9] =	stream.linear.gather [spmem:s26], $0x1000, $0x38;
	[tilespmem:$0x118A0] =	vst v63  }
0x7a: {  	_ =	swait.ge [sflag:s8], $0x1000  }
0x7b: {  	[sflag:s8] =	ssyncset.done $0x0  }
0x7c: {  	v16 =	vld [tilespmem:$0x1FFE0];
	[sflag:s8] =	ssyncadd.s32 $0xFFFFF000  }
0x7d: {  	v10 =	vld [tilespmem:$0x880]  }
0x7e: {  	v11 =	vld [tilespmem:$0x900]  }
0x7f: {  	v12 =	vld [tilespmem:$0x980]  }
0x80: {  	v13 =	vld [tilespmem:$0xA00]  }
0x81: {  	v14 =	vld [tilespmem:$0xA80]  }
0x82: {  	vm11 =	vcmask $0x308;
	v15 =	vld [tilespmem:$0xB00];
	vm8 =	vnez.u8 v16  }
0x83: {  	v58 =	vld [tilespmem:$0xB80];
	v10 =	vnsel vm8, $0x0, v10;
	v11 =	vsel vm11, $0x0, v11  }
0x84: {  	v10 =	vadd.s32 v10, v11;
	v11 =	vsel vm12, $0x0, v12;
	v12 =	vld [tilespmem:$0xC00]  }
0x85: {  	v10 =	vadd.s32 v11, v10;
	v11 =	vsel vm13, $0x0, v13;
	v13 =	vld [tilespmem:$0xC80]  }
0x86: {  	v10 =	vadd.s32 v11, v10;
	v11 =	vsel vm14, $0x0, v14;
	v14 =	vld [tilespmem:$0xD00]  }
0x87: {  	vm5 =	vcmask $0x171C;
	v10 =	vadd.s32 v11, v10;
	v11 =	vsel vm15, $0x0, v15;
	v15 =	vld [tilespmem:$0xD80]  }
0x88: {  	v59 =	vld [tilespmem:$0xE00];
	v10 =	vadd.s32 v11, v10;
	v11 =	vsel vm5, $0x0, v58  }
0x89: {  	v10 =	vadd.s32 v11, v10;
	v11 =	vsel vm6, $0x0, v12;
	v12 =	vld [tilespmem:$0xE80]  }
0x8a: {  	vm0 =	vcmask $0x2328;
	v10 =	vadd.s32 v11, v10;
	v11 =	vsel vm7, $0x0, v13;
	v13 =	vld [tilespmem:$0xF00]  }
0x8b: {  	vm4 =	vcmask $0x272C;
	v10 =	vadd.s32 v11, v10;
	v11 =	vsel vm0, $0x0, v14;
	v14 =	vld [tilespmem:$0xF80]  }
0x8c: {  	v10 =	vadd.s32 v11, v10;
	v11 =	vsel vm4, $0x0, v15;
	vm4 =	vcmask $0x2B30  }
0x8d: {  	v10 =	vadd.s32 v11, v10;
	v11 =	vsel vm4, $0x0, v59;
	vm4 =	vcmask $0x2F34  }
0x8e: {  	v10 =	vadd.s32 v11, v10;
	v11 =	vsel vm4, $0x0, v12;
	vm4 =	vcmask $0x3338  }
0x8f: {  	v10 =	vadd.s32 v11, v10;
	v11 =	vsel vm4, $0x0, v13;
	vm4 =	vcmask $0x373C  }
0x90: {  	v10 =	vadd.s32 v11, v10;
	v11 =	vsel vm4, $0x0, v14  }
0x91: {  	v10 =	vadd.s32 v11, v10;
	v11 =	vld [tilespmem:$0x1FFF0]  }
0x92: {  	v15 =	vld [tilespmem:$0x1000];
	_ =	sdelay $0x3  }
0x93: {  	vm0 =	vnez.u8 v11  }
0x94: {  	v11 =	vsel vm0, $0x0, v15  }
0x95: {  	v10 =	vadd.s32 v11, v10;
	v11 =	vld [tilespmem:$0x1FFD0];
	_ =	sdelay $0x4  }
0x96: {  	vm4 =	vnez.u8 v11  }
0x97: {  	v10 =	vnsel vm4, $0x0, v10  }
0x98: {  	v13 =	vld [tilespmem:$0x1100];
	v12 =	vperm.xlane v10, v2  }
0x99: {  	v11 =	vld [tilespmem:$0x1080]  }
0x9a: {  	v14 =	vld [tilespmem:$0x1180];
	v12 =	vsel vm10, $0x0, v12  }
0x9b: {  	v15 =	vld [tilespmem:$0x1200];
	v10 =	vadd.s32 v12, v10  }
0x9c: {  	v12 =	vld [tilespmem:$0x1280];
	v60 =	vperm.xlane v10, v3  }
0x9d: {  	v17 =	vld [tilespmem:$0x1300]  }
0x9e: {  	v18 =	vld [tilespmem:$0x1380];
	v13 =	vsel vm11, $0x0, v13;
	v11 =	vnsel vm8, $0x0, v11;
	v16 =	vsel vm1, $0x0, v60  }
0x9f: {  	v19 =	vld [tilespmem:$0x1400];
	v11 =	vadd.s32 v11, v13;
	v13 =	vsel vm12, $0x0, v14;
	v10 =	vadd.s32 v16, v10  }
0xa0: {  	v14 =	vld [tilespmem:$0x1480];
	v11 =	vadd.s32 v13, v11;
	v13 =	vsel vm13, $0x0, v15;
	v16 =	vperm.xlane v10, v4  }
0xa1: {  	v15 =	vld [tilespmem:$0x1500];
	v11 =	vadd.s32 v13, v11;
	v12 =	vsel vm14, $0x0, v12  }
0xa2: {  	v61 =	vld [tilespmem:$0x1600];
	v11 =	vadd.s32 v12, v11;
	v12 =	vsel vm15, $0x0, v17;
	v16 =	vsel vm2, $0x0, v16  }
0xa3: {  	s5 =	simm.s32 $0x0;
	v13 =	vld [tilespmem:$0x1580];
	v11 =	vadd.s32 v12, v11;
	v12 =	vsel vm5, $0x0, v18;
	vm5 =	vcmask $0x2328  }
0xa4: {  	v62 =	vld [tilespmem:s5+$0x0];
	v10 =	vadd.s32 v16, v10;
	v11 =	vadd.s32 v12, v11;
	v12 =	vsel vm6, $0x0, v19  }
0xa5: {  	v63 =	vld [tilespmem:$0x1680];
	v16 =	vperm.xlane v10, v5;
	v11 =	vadd.s32 v12, v11;
	v12 =	vsel vm7, $0x0, v14  }
0xa6: {  	v11 =	vadd.s32 v12, v11;
	v12 =	vsel vm5, $0x0, v15  }
0xa7: {  	v14 =	vld [tilespmem:$0x1700];
	vm5 =	vcmask $0x272C;
	v10 =	vadd.s32 v16, v10;
	v11 =	vadd.s32 v12, v11  }
0xa8: {  	v12 =	vsel vm5, $0x0, v13;
	vm5 =	vcmask $0x2B30;
	(v2sf) =	vpush v10, $0xF;
	v10 =	vld [tilespmem:$0x1780]  }
0xa9: {  	v13 =	vld [tilespmem:$0x1800];
	v11 =	vadd.s32 v12, v11;
	v12 =	vsel vm5, $0x0, v61;
	vm5 =	vcmask $0x2F34  }
0xaa: {  	vm11 =	vne.s32 v62, $0x1;
	v11 =	vadd.s32 v12, v11;
	v12 =	vsel vm5, $0x0, v63  }
0xab: {  	v15 =	vsel vm11, $0x1, v0;
	vm5 =	vcmask $0x3338;
	v11 =	vadd.s32 v12, v11  }
0xac: {  	v12 =	vsel vm5, $0x0, v14;
	v14 =	vperm.xlane v15, v2;
	vm5 =	vcmask $0x373C  }
0xad: {  	v11 =	vadd.s32 v12, v11;
	v10 =	vsel vm5, $0x0, v10  }
0xae: {  	v12 =	vsel vm10, $0x0, v14;
	v10 =	vadd.s32 v10, v11;
	v11 =	vsel vm0, $0x0, v13  }
0xaf: {  	v10 =	vadd.s32 v11, v10;
	v11 =	vadd.s32 v15, v12  }
0xb0: {  	v10 =	vnsel vm4, $0x0, v10;
	v12 =	vperm.xlane v11, v3  }
0xb1: {  	v13 =	vperm.xlane v10, v2  }
0xb2: {  	v12 =	vsel vm1, $0x0, v12  }
0xb3: {  	v13 =	vsel vm10, $0x0, v13;
	v11 =	vadd.s32 v12, v11  }
0xb4: {  	v10 =	vadd.s32 v10, v13;
	v12 =	vperm.xlane v11, v4  }
0xb5: {  	v13 =	vperm.xlane v10, v3  }
0xb6: {  	v12 =	vsel vm2, $0x0, v12  }
0xb7: {  	s16 =	spop (v2sf);
	v13 =	vsel vm1, $0x0, v13;
	v11 =	vadd.s32 v12, v11  }
0xb8: {  	v10 =	vadd.s32 v13, v10;
	v12 =	vmov s16;
	v13 =	vperm.xlane v11, v5  }
0xb9: {  	v14 =	vperm.xlane v10, v4;
	v12 =	vadd.s32 $0x1, v12  }
0xba: {  	v12 =	vbroadcast v12, $0x0;
	v13 =	vsel vm3, $0x0, v13  }
0xbb: {  	v14 =	vsel vm2, $0x0, v14;
	v13 =	vadd.s32 v13, v11  }
0xbc: {  	s18 =	simm.s32 $0x400;
	s20 =	simm.s32 $0x8;
	v10 =	vadd.s32 v14, v10;
	v11 =	vadd.s32 v13, v12;
	(v2sf) =	vpush v13, $0xF  }
0xbd: {  	s13 =	simm.s32 $0x0;
	s6 =	simm.s32 $0x4;
	s8 =	sadd.s32 $0x2, s16;
	v12 =	vnsel vm11, $0x1, v11;
	v11 =	vperm.xlane v10, v5  }
.LBB2_6:
0xbe: {  	p0 =	sne.s32 s20, $0x7C;
	[tilespmem:s18+$0x0] =	vst v12;
	s5 =	sadd.s32 $0x10, s5  }
0xbf: {  	v12 =	vld [tilespmem:s5+$0x0];
	_ =	sdelay $0x4  }
0xc0: {  	vm11 =	vne.s32 v12, $0x1  }
0xc1: {  	v12 =	vsel vm11, $0x1, v0  }
0xc2: {  	v13 =	vperm.xlane v12, v2;
	_ =	sdelay $0x1  }
0xc3: {  	v13 =	vsel vm10, $0x0, v13  }
0xc4: {  	v12 =	vadd.s32 v12, v13  }
0xc5: {  	v13 =	vperm.xlane v12, v3  }
0xc6: {  	s21 =	spop (v2sf)  }
0xc7: {  	s22 =	simm.s32 $0x1;
	v13 =	vsel vm1, $0x0, v13;
	p1 =	seq.s32 s21, $0x10;
	s16 =	sadd.s32 s16, s21  }
0xc8: {  	s23 =	sshra.s32 s13, $0x2;
	v12 =	vadd.s32 v13, v12;
	v13 =	vmov s16;
	s21 =	sadd.s32 $0x2, s16;
	s22 =	simm.s32 @!p1 $0x0  }
0xc9: {  	s13 =	smov.u32 s6;
	s6 =	smov.u32 s20;
	v14 =	vperm.xlane v12, v4;
	v13 =	vadd.s32 $0x1, v13;
	[smem:s23] =	sst s22  }
0xca: {  	v13 =	vbroadcast v13, $0x0;
	[smem:s23+$0x80] =	sst s8;
	s8 =	smov.u32 s21  }
0xcb: {  	v14 =	vsel vm2, $0x0, v14  }
0xcc: {  	v12 =	vadd.s32 v14, v12  }
0xcd: {  	v14 =	vperm.xlane v12, v5  }
.Ltmp4:
0xce: {  	(pc) =	sbr.rel @p0 .LBB2_6-.Ltmp4, $4  }
0xcf: {  	v14 =	vsel vm3, $0x0, v14  }
0xd0: {  	v12 =	vadd.s32 v14, v12  }
0xd1: {  	v13 =	vadd.s32 v12, v13;
	(v2sf) =	vpush v12, $0xF  }
0xd2: {  	s20 =	sadd.s32 $0x4, s20;
	s18 =	sadd.s32 $0x10, s18;
	v12 =	vnsel vm11, $0x1, v13  }
0xd3: {  	[tilespmem:s18+$0x0] =	vst v12;
	s5 =	sadd.s32 $0x10, s5  }
0xd4: {  	v12 =	vld [tilespmem:s5+$0x0];
	_ =	sdelay $0x4  }
0xd5: {  	vm11 =	vne.s32 v12, $0x1  }
0xd6: {  	v12 =	vsel vm11, $0x1, v0  }
0xd7: {  	v13 =	vperm.xlane v12, v2;
	_ =	sdelay $0x1  }
0xd8: {  	v13 =	vsel vm10, $0x0, v13  }
0xd9: {  	v12 =	vadd.s32 v12, v13  }
0xda: {  	v13 =	vperm.xlane v12, v3;
	_ =	sdelay $0x1  }
0xdb: {  	v13 =	vsel vm1, $0x0, v13  }
0xdc: {  	v12 =	vadd.s32 v13, v12  }
0xdd: {  	v13 =	vperm.xlane v12, v4;
	_ =	sdelay $0x1  }
0xde: {  	s20 =	spop (v2sf);
	v13 =	vsel vm2, $0x0, v13  }
0xdf: {  	s21 =	sadd.s32 s16, s20;
	v12 =	vadd.s32 v13, v12  }
0xe0: {  	v62 =	vmov s21;
	v14 =	vperm.xlane v12, v5  }
0xe1: {  	v13 =	vadd.s32 $0x1, v62  }
0xe2: {  	v13 =	vbroadcast v13, $0x0;
	v14 =	vsel vm3, $0x0, v14  }
0xe3: {  	v12 =	vadd.s32 v14, v12  }
0xe4: {  	v13 =	vadd.s32 v12, v13  }
0xe5: {  	s25 =	sadd.s32 $0x10, s18;
	v13 =	vnsel vm11, $0x1, v13  }
0xe6: {  	s5 =	simm.s32 $0x200;
	[tilespmem:s25+$0x0] =	vst v13  }
0xe7: {  	v13 =	vld [tilespmem:s5+$0x0];
	_ =	sdelay $0x1  }
0xe8: {  	v10 =	vadd.s32 v11, v10;
	(v2sf) =	vpush v12, $0xF  }
0xe9: {  	(v2sf) =	vpush v10, $0xF;
	_ =	sdelay $0x1  }
0xea: {  	vm11 =	vne.s32 v13, $0x1  }
0xeb: {  	v10 =	vsel vm11, $0x1, v0  }
0xec: {  	v11 =	vperm.xlane v10, v2  }
0xed: {  	vm10 =	veq.s32 v1, $0x0  }
0xee: {  	v11 =	vsel vm10, $0x0, v11  }
0xef: {  	v10 =	vadd.s32 v10, v11  }
0xf0: {  	v11 =	vperm.xlane v10, v3;
	_ =	sdelay $0x1  }
0xf1: {  	v11 =	vsel vm1, $0x0, v11  }
0xf2: {  	v10 =	vadd.s32 v11, v10  }
0xf3: {  	v11 =	vperm.xlane v10, v4;
	_ =	sdelay $0x1  }
0xf4: {  	s26 =	spop (v2sf);
	v11 =	vsel vm2, $0x0, v11  }
0xf5: {  	s13 =	sshra.s32 s13, $0x2;
	s18 =	simm.s32 $0x1;
	s16 =	spop (v2sf);
	v10 =	vadd.s32 v11, v10  }
0xf6: {  	s6 =	sshra.s32 s6, $0x2;
	p0 =	seq.s32 s20, $0x10;
	s20 =	simm.s32 $0x1;
	v11 =	vmov s16;
	v63 =	vperm.xlane v10, v5  }
0xf7: {  	s22 =	simm.s32 $0x8;
	s20 =	simm.s32 @!p0 $0x0;
	s28 =	sadd.s32 $0x2, s21;
	v11 =	vadd.s32 $0x1, v11  }
0xf8: {  	s21 =	simm.s32 $0x0;
	[smem:s13] =	sst s20;
	p0 =	seq.s32 s26, $0x10;
	v11 =	vbroadcast v11, $0x0;
	v12 =	vsel vm3, $0x0, v63  }
0xf9: {  	[smem:s13+$0x80] =	sst s8;
	s13 =	simm.s32 $0x0;
	s18 =	simm.s32 @!p0 $0x0;
	v10 =	vadd.s32 v12, v10  }
0xfa: {  	s8 =	simm.s32 $0x600;
	s20 =	sadd.s32 $0x2, s16;
	[smem:s6] =	sst s18;
	v11 =	vadd.s32 v10, v11;
	(v2sf) =	vpush v10, $0xF  }
0xfb: {  	s18 =	simm.s32 $0x600;
	[smem:s6+$0x80] =	sst s28;
	s6 =	simm.s32 $0x4;
	v10 =	vnsel vm11, $0x1, v11  }
.LBB2_8:
0xfc: {  	p0 =	sne.s32 s22, $0x7C;
	[tilespmem:s8+$0x0] =	vst v10;
	s5 =	sadd.s32 $0x10, s5  }
0xfd: {  	v10 =	vld [tilespmem:s5+$0x0];
	_ =	sdelay $0x4  }
0xfe: {  	vm11 =	vne.s32 v10, $0x1  }
0xff: {  	v10 =	vsel vm11, $0x1, v0  }
0x100: {  	v11 =	vperm.xlane v10, v2;
	_ =	sdelay $0x1  }
0x101: {  	v11 =	vsel vm10, $0x0, v11  }
0x102: {  	v10 =	vadd.s32 v10, v11  }
0x103: {  	v11 =	vperm.xlane v10, v3  }
0x104: {  	s23 =	spop (v2sf)  }
0x105: {  	s24 =	simm.s32 $0x1;
	v11 =	vsel vm1, $0x0, v11;
	p1 =	seq.s32 s23, $0x10;
	s16 =	sadd.s32 s16, s23  }
0x106: {  	s25 =	sshra.s32 s21, $0x2;
	v10 =	vadd.s32 v11, v10;
	v11 =	vmov s16;
	s23 =	sadd.s32 $0x2, s16;
	s24 =	simm.s32 @!p1 $0x0  }
0x107: {  	s21 =	smov.u32 s6;
	s6 =	smov.u32 s22;
	v12 =	vperm.xlane v10, v4;
	v11 =	vadd.s32 $0x1, v11;
	[smem:s25+$0x20] =	sst s24  }
0x108: {  	v11 =	vbroadcast v11, $0x0;
	[smem:s25+$0xA0] =	sst s20;
	s20 =	smov.u32 s23  }
0x109: {  	v12 =	vsel vm2, $0x0, v12  }
0x10a: {  	v10 =	vadd.s32 v12, v10  }
0x10b: {  	v12 =	vperm.xlane v10, v5  }
.Ltmp5:
0x10c: {  	(pc) =	sbr.rel @p0 .LBB2_8-.Ltmp5, $4  }
0x10d: {  	v12 =	vsel vm3, $0x0, v12  }
0x10e: {  	v10 =	vadd.s32 v12, v10  }
0x10f: {  	v11 =	vadd.s32 v10, v11;
	(v2sf) =	vpush v10, $0xF  }
0x110: {  	s22 =	sadd.s32 $0x4, s22;
	s8 =	sadd.s32 $0x10, s8;
	v10 =	vnsel vm11, $0x1, v11  }
0x111: {  	[tilespmem:s8+$0x0] =	vst v10;
	s5 =	sadd.s32 $0x10, s5  }
0x112: {  	v10 =	vld [tilespmem:s5+$0x0];
	_ =	sdelay $0x4  }
0x113: {  	vm10 =	vne.s32 v10, $0x1  }
0x114: {  	v10 =	vsel vm10, $0x1, v0  }
0x115: {  	v11 =	vperm.xlane v10, v2  }
0x116: {  	vm11 =	veq.s32 v1, $0x0  }
0x117: {  	v11 =	vsel vm11, $0x0, v11  }
0x118: {  	v10 =	vadd.s32 v10, v11  }
0x119: {  	v11 =	vperm.xlane v10, v3;
	_ =	sdelay $0x1  }
0x11a: {  	v11 =	vsel vm1, $0x0, v11  }
0x11b: {  	v10 =	vadd.s32 v11, v10  }
0x11c: {  	v11 =	vperm.xlane v10, v4;
	_ =	sdelay $0x1  }
0x11d: {  	v11 =	vsel vm2, $0x0, v11  }
0x11e: {  	v10 =	vadd.s32 v11, v10  }
0x11f: {  	v11 =	vperm.xlane v10, v5;
	_ =	sdelay $0x1  }
0x120: {  	v11 =	vsel vm3, $0x0, v11  }
0x121: {  	v10 =	vadd.s32 v11, v10  }
0x122: {  	(v2sf) =	vpush v10, $0xF;
	_ =	sdelay $0xa  }
0x123: {  	s26 =	spop (v2sf)  }
0x124: {  	s16 =	sadd.s32 s16, s26  }
0x125: {  	v11 =	vmov s16  }
0x126: {  	s21 =	sshra.s32 s21, $0x2;
	s5 =	simm.s32 $0x1;
	p0 =	seq.s32 s26, $0x10;
	v11 =	vadd.s32 $0x1, v11  }
.Ltmp6:
0x127: {  	s5 =	simm.s32 @!p0 $0x0;
	v11 =	vbroadcast v11, $0x0;
	s22 =	spop (v2sf);
	(pc) =	sbr.rel .LBB2_10-.Ltmp6, $4  }
0x128: {  	[smem:s21+$0x20] =	sst s5;
	s5 =	simm.s32 $0x1;
	p0 =	seq.s32 s22, $0x10  }
0x129: {  	s6 =	sshra.s32 s6, $0x2;
	[smem:s21+$0xA0] =	sst s20;
	v10 =	vadd.s32 v10, v11;
	s5 =	simm.s32 @!p0 $0x0  }
0x12a: {  	s28 =	sadd.s32 $0x10, s8;
	s16 =	sadd.s32 $0x2, s16;
	v10 =	vnsel vm10, $0x1, v10;
	[smem:s6+$0x20] =	sst s5  }
0x12b: {  	[tilespmem:s28+$0x0] =	vst v10;
	s5 =	simm.s32 $0x80;
	[smem:s6+$0xA0] =	sst s16;
	s16 =	simm.s32 $0x0  }
.LBB2_14:
0x12c: {  	p0 =	sne.s32 @!p1 s8, $0x1  }
0x12d: {  	p2 =	por p0, p1  }
0x12e: {  	p2 =	sne.s32 @!p2 s6, s20  }
0x12f: {  	p0 =	por @!p1 p2, p0  }
0x130: {  	p0 =	por p0, p1  }
0x131: {  	s6 =	simm.s32 @!p0 $0x5  }
0x132: {  	_ =	swait.ge @!p0 [sflag:s6], $0x4000  }
0x133: {  	[sflag:s6] =	ssyncset.done @!p0 $0x0  }
0x134: {  	[sflag:s6] =	ssyncadd.s32 @!p0 $0xFFFFC000;
	s6 =	sadd.s32 @!p0 s16, s14  }
0x135: {  	s8 =	simm.s32 @!p0 $0x0;
	s20 =	simm.s32 @!p0 $0x18A0;
	s6 =	sadd.s32 @!p0 $0x100000, s6  }
0x136: {  	[hbm4b:s6+s8] =	stream.linear.scatter @!p0 [tilespmem:s20], [sflag:$0x6], $0x4000, $0x38;
	[tilespmem:$0x118A0] =	vst v63  }
0x137: {  	v10 =	vld [tilespmem:s18+$0xFFFFFE10];
	_ =	sdelay $0x4  }
0x138: {  	v11 =	vshll.u32 v10, $0x3  }
0x139: {  	v10 =	vand.u32 $0x7, v10;
	v11 =	vand.u32 $0xFFFFFFC0, v11  }
0x13a: {  	v10 =	vor.u32 v10, v11  }
0x13b: {  	v11 =	vperm.xlane v10, v7;
	_ =	sdelay $0x1  }
0x13c: {  	v11 =	vadd.s32 v8, v11;
	_ =	sdelay $0x4  }
0x13d: {  	[tilespmem:s29], [sflag:$0x3] =	stream.indirect_vreg.gather [hbm4b:s2+s4], $0x80, v11, vm9, $0xb8;
	[tilespmem:$0x118A0] =	vst v63  }
0x13e: {  	v10 =	vperm.xlane v10, v9  }
0x13f: {  	[tilespmem:s30], [sflag:$0x3] =	stream.indirect_vreg.gather [hbm4b:s9+s4], $0x80, v11, vm9, $0xb8;
	[tilespmem:$0x118A0] =	vst v63  }
0x140: {  	v10 =	vadd.s32 v8, v10  }
0x141: {  	[tilespmem:s31], [sflag:$0x3] =	stream.indirect_vreg.gather [hbm4b:s10+s4], $0x80, v11, vm9, $0xb8;
	[tilespmem:$0x118A0] =	vst v63  }
0x142: {  	_ = 	snop  }
0x143: {  	[tilespmem:s0], [sflag:$0x3] =	stream.indirect_vreg.gather [hbm4b:s11+s4], $0x80, v11, vm9, $0xb8;
	[tilespmem:$0x118A0] =	vst v63  }
0x144: {  	p4 =	sne.s32 s23, $0x1;
	p5 =	sne.s32 s24, $0x1  }
0x145: {  	[tilespmem:s1], [sflag:$0x3] =	stream.indirect_vreg.gather [hbm4b:s2+s4], $0x80, v10, vm9, $0xb8;
	[tilespmem:$0x118A0] =	vst v63  }
0x146: {  	p6 =	sne.s32 s21, s22;
	p0 =	por p4, p5  }
0x147: {  	[tilespmem:s3], [sflag:$0x3] =	stream.indirect_vreg.gather [hbm4b:s9+s4], $0x80, v10, vm9, $0xb8;
	[tilespmem:$0x118A0] =	vst v63  }
0x148: {  	p0 =	por p0, p6  }
0x149: {  	[tilespmem:s17], [sflag:$0x3] =	stream.indirect_vreg.gather [hbm4b:s10+s4], $0x80, v10, vm9, $0xb8;
	[tilespmem:$0x118A0] =	vst v63  }
0x14a: {  	s6 =	simm.s32 @!p0 $0x3  }
0x14b: {  	[tilespmem:s19], [sflag:$0x3] =	stream.indirect_vreg.gather [hbm4b:s11+s4], $0x80, v10, vm9, $0xb8;
	[tilespmem:$0x118A0] =	vst v63  }
0x14c: {  	_ =	swait.ge @!p0 [sflag:s6], $0x4000  }
0x14d: {  	[sflag:s6] =	ssyncset.done @!p0 $0x0  }
0x14e: {  	[sflag:s6] =	ssyncadd.s32 @!p0 $0xFFFFC000;
	s6 =	sadd.s32 @!p0 s16, s14  }
0x14f: {  	s8 =	simm.s32 @!p0 $0x0;
	s20 =	simm.s32 @!p0 $0x98A0;
	s6 =	sadd.s32 @!p0 $0x800, s6  }
0x150: {  	[hbm4b:s6+s8] =	stream.linear.scatter @!p0 [tilespmem:s20], [sflag:$0x7], $0x4000, $0x38;
	[tilespmem:$0x118A0] =	vst v63  }
0x151: {  	v10 =	vld @p0 [tilespmem:s18+$0x10];
	_ =	sdelay $0x4  }
0x152: {  	v11 =	vshll.u32 @p0 v10, $0x3  }
0x153: {  	v12 =	vlaneseq.u32 @p0;
	v10 =	vand.u32 @p0 $0x7, v10;
	v11 =	vand.u32 @p0 $0xFFFFFFC0, v11  }
0x154: {  	v13 =	vshrl.u32 @p0 v12, $0x3;
	v10 =	vor.u32 @p0 v10, v11;
	v11 =	vand.u32 @p0 $0x7, v12  }
0x155: {  	v13 =	vmul.u32 @p0 $0x8, v13;
	v11 =	vperm.xlane @p0 v10, v11;
	_ =	sdelay $0x1  }
0x156: {  	v11 =	vadd.s32 @p0 v13, v11;
	_ =	sdelay $0x3  }
0x157: {  	vm10 =	vmmov @p0 $0xffff;
	s6 =	simm.s32 @p0 $0x0;
	s8 =	simm.s32 @p0 $0xD8A0  }
0x158: {  	v12 =	vor.u32 @p0 $0x8, v12;
	[tilespmem:s8], [sflag:$0x4] =	stream.indirect_vreg.gather @p0 [hbm4b:s2+s6], $0x80, v11, vm10, $0xb8;
	[tilespmem:$0x118A0] =	vst v63  }
0x159: {  	s20 =	simm.s32 @p0 $0xE0A0;
	v10 =	vperm.xlane @p0 v10, v12  }
0x15a: {  	[tilespmem:s20], [sflag:$0x4] =	stream.indirect_vreg.gather @p0 [hbm4b:s9+s6], $0x80, v11, vm10, $0xb8;
	[tilespmem:$0x118A0] =	vst v63  }
0x15b: {  	v10 =	vadd.s32 @p0 v13, v10;
	s20 =	simm.s32 @p0 $0xE8A0  }
0x15c: {  	[tilespmem:s20], [sflag:$0x4] =	stream.indirect_vreg.gather @p0 [hbm4b:s10+s6], $0x80, v11, vm10, $0xb8;
	[tilespmem:$0x118A0] =	vst v63  }
0x15d: {  	s20 =	simm.s32 @p0 $0xF0A0  }
0x15e: {  	[tilespmem:s20], [sflag:$0x4] =	stream.indirect_vreg.gather @p0 [hbm4b:s11+s6], $0x80, v11, vm10, $0xb8;
	[tilespmem:$0x118A0] =	vst v63  }
0x15f: {  	s20 =	simm.s32 @p0 $0xF8A0  }
0x160: {  	[tilespmem:s20], [sflag:$0x4] =	stream.indirect_vreg.gather @p0 [hbm4b:s2+s6], $0x80, v10, vm10, $0xb8;
	[tilespmem:$0x118A0] =	vst v63  }
0x161: {  	s20 =	simm.s32 @p0 $0x100A0  }
0x162: {  	[tilespmem:s20], [sflag:$0x4] =	stream.indirect_vreg.gather @p0 [hbm4b:s9+s6], $0x80, v10, vm10, $0xb8;
	[tilespmem:$0x118A0] =	vst v63  }
0x163: {  	s20 =	simm.s32 @p0 $0x108A0  }
0x164: {  	[tilespmem:s20], [sflag:$0x4] =	stream.indirect_vreg.gather @p0 [hbm4b:s10+s6], $0x80, v10, vm10, $0xb8;
	[tilespmem:$0x118A0] =	vst v63  }
0x165: {  	s20 =	simm.s32 @p0 $0x110A0  }
0x166: {  	[tilespmem:s20], [sflag:$0x4] =	stream.indirect_vreg.gather @p0 [hbm4b:s11+s6], $0x80, v10, vm10, $0xb8;
	[tilespmem:$0x118A0] =	vst v63  }
0x167: {  	s20 =	simm.s32 @p0 $0x3  }
0x168: {  	_ =	swait.ge @p0 [sflag:s20], $0x4000  }
0x169: {  	[sflag:s20] =	ssyncset.done @p0 $0x0  }
0x16a: {  	[sflag:s20] =	ssyncadd.s32 @p0 $0xFFFFC000;
	s20 =	simm.s32 @p0 $0x4  }
0x16b: {  	_ =	swait.ge @p0 [sflag:s20], $0x4000  }
0x16c: {  	s21 =	sadd.s32 @p0 s16, s14;
	[sflag:s20] =	ssyncset.done @p0 $0x0  }
0x16d: {  	s22 =	simm.s32 @p0 $0x98A0;
	[sflag:s20] =	ssyncadd.s32 @p0 $0xFFFFC000;
	s20 =	sadd.s32 @p0 $0x800, s21  }
0x16e: {  	[hbm4b:s20+s6] =	stream.linear.scatter @p0 [tilespmem:s22], [sflag:$0x7], $0x4000, $0x38;
	[tilespmem:$0x118A0] =	vst v63  }
0x16f: {  	s16 =	sadd.s32 $0x1000, s16;
	s20 =	sadd.s32 @p0 $0x100800, s21  }
0x170: {  	[hbm4b:s20+s6] =	stream.linear.scatter @p0 [tilespmem:s8], [sflag:$0x8], $0x4000, $0x38;
	[tilespmem:$0x118A0] =	vst v63  }
0x171: {  	p0 =	sne.s32 s16, $0x10000  }
.Ltmp7:
0x172: {  	_ = 	snop;
	(pc) =	sbr.rel @!p0 .LBB2_15-.Ltmp7, $2  }
0x173: {  	_ =	sdelay $0x2  }
0x174: {  	s5 =	sadd.s32 $0x2, s5;
	s13 =	sadd.s32 $0x2, s13;
	s18 =	sadd.s32 $0x20, s18  }
.LBB2_10:
0x175: {  	p0 =	seq.s32 s16, $0x0  }
.Ltmp8:
0x176: {  	_ = 	snop;
	(pc) =	sbr.rel @p0 .LBB2_12-.Ltmp8, $4  }
0x177: {  	s21 =	sld [smem:s13+$0x0]  }
0x178: {  	s8 =	sld [smem:s13+$0x20]  }
0x179: {  	s6 =	sld [smem:s5+$0x0]  }
0x17a: {  	s20 =	sld [smem:s5+$0x20]  }
0x17b: {  	s22 =	sld [smem:s13+$0xFFFFFFFE]  }
0x17c: {  	s23 =	sld [smem:s13+$0x1E]  }
0x17d: {  	s24 =	sld [smem:s5+$0xFFFFFFFE]  }
0x17e: {  	p1 =	sne.s32 s22, $0x1;
	s22 =	sld [smem:s5+$0x1E]  }
0x17f: {  	p2 =	sne.s32 @!p1 s23, $0x1  }
0x180: {  	p1 =	por p1, p2  }
0x181: {  	p2 =	seq.s32 @!p1 s24, s22  }
0x182: {  	p1 =	por p1, !p2  }
0x183: {  	s22 =	simm.s32 @p1 $0x5  }
0x184: {  	_ =	swait.ge @p1 [sflag:s22], $0x4000  }
0x185: {  	[sflag:s22] =	ssyncset.done @p1 $0x0  }
0x186: {  	[sflag:s22] =	ssyncadd.s32 @p1 $0xFFFFC000  }
0x187: {  	_ =	swait.ge [sflag:s7], $0x4000  }
0x188: {  	[sflag:s7] =	ssyncset.done $0x0  }
0x189: {  	[sflag:s7] =	ssyncadd.s32 $0xFFFFC000  }
0x18a: {  	s28 =	sld [smem:s13+$0xFFFFFFFF]  }
0x18b: {  	s23 =	sld [smem:s13+$0x1F]  }
0x18c: {  	s24 =	sld [smem:s5+$0xFFFFFFFF]  }
0x18d: {  	s22 =	sld [smem:s5+$0x1F];
	p1 =	sne.s32 s28, $0x1  }
0x18e: {  	p2 =	sne.s32 @!p1 s23, $0x1  }
0x18f: {  	p3 =	por p2, p1  }
0x190: {  	p3 =	sne.s32 @!p3 s24, s22  }
0x191: {  	p2 =	por @!p1 p3, p2  }
0x192: {  	p1 =	por p2, p1  }
0x193: {  	s22 =	simm.s32 @!p1 $0x7  }
0x194: {  	_ =	swait.ge @!p1 [sflag:s22], $0x4000  }
0x195: {  	s23 =	simm.s32 @!p1 $0x0;
	[sflag:s22] =	ssyncset.done @!p1 $0x0  }
0x196: {  	s24 =	simm.s32 @!p1 $0x98A0;
	[sflag:s22] =	ssyncadd.s32 @!p1 $0xFFFFC000;
	s22 =	sadd.s32 @!p1 s16, s15  }
0x197: {  	[hbm4b:s22+s23] =	stream.linear.scatter @!p1 [tilespmem:s24], [sflag:$0x8], $0x4000, $0x38;
	[tilespmem:$0x118A0] =	vst v63  }
.LBB2_12:
0x198: {  	v10 =	vld [tilespmem:s18+$0xFFFFFE00];
	_ =	sdelay $0x4  }
0x199: {  	v11 =	vshll.u32 v10, $0x3  }
0x19a: {  	v10 =	vand.u32 $0x7, v10;
	v11 =	vand.u32 $0xFFFFFFC0, v11  }
0x19b: {  	v10 =	vor.u32 v10, v11  }
0x19c: {  	v11 =	vperm.xlane v10, v7;
	_ =	sdelay $0x1  }
0x19d: {  	v11 =	vadd.s32 v8, v11;
	_ =	sdelay $0x3  }
0x19e: {  	s22 =	simm.s32 $0x18A0  }
0x19f: {  	[tilespmem:s22], [sflag:$0x1] =	stream.indirect_vreg.gather [hbm4b:s2+s4], $0x80, v11, vm9, $0xb8;
	[tilespmem:$0x118A0] =	vst v63  }
0x1a0: {  	s26 =	simm.s32 $0x20A0;
	v10 =	vperm.xlane v10, v9  }
0x1a1: {  	[tilespmem:s26], [sflag:$0x1] =	stream.indirect_vreg.gather [hbm4b:s9+s4], $0x80, v11, vm9, $0xb8;
	[tilespmem:$0x118A0] =	vst v63  }
0x1a2: {  	s28 =	simm.s32 $0x28A0;
	v10 =	vadd.s32 v8, v10  }
0x1a3: {  	[tilespmem:s28], [sflag:$0x1] =	stream.indirect_vreg.gather [hbm4b:s10+s4], $0x80, v11, vm9, $0xb8;
	[tilespmem:$0x118A0] =	vst v63  }
0x1a4: {  	s23 =	simm.s32 $0x30A0  }
0x1a5: {  	[tilespmem:s23], [sflag:$0x1] =	stream.indirect_vreg.gather [hbm4b:s11+s4], $0x80, v11, vm9, $0xb8;
	[tilespmem:$0x118A0] =	vst v63  }
0x1a6: {  	s24 =	simm.s32 $0x38A0;
	p1 =	sne.s32 s21, $0x1;
	p2 =	sne.s32 s8, $0x1  }
0x1a7: {  	[tilespmem:s24], [sflag:$0x1] =	stream.indirect_vreg.gather [hbm4b:s2+s4], $0x80, v10, vm9, $0xb8;
	[tilespmem:$0x118A0] =	vst v63  }
0x1a8: {  	s25 =	simm.s32 $0x40A0;
	p2 =	por p1, p2;
	p3 =	sne.s32 s6, s20  }
0x1a9: {  	[tilespmem:s25], [sflag:$0x1] =	stream.indirect_vreg.gather [hbm4b:s9+s4], $0x80, v10, vm9, $0xb8;
	[tilespmem:$0x118A0] =	vst v63  }
0x1aa: {  	p2 =	por p2, p3;
	s26 =	simm.s32 $0x48A0  }
0x1ab: {  	[tilespmem:s26], [sflag:$0x1] =	stream.indirect_vreg.gather [hbm4b:s10+s4], $0x80, v10, vm9, $0xb8;
	[tilespmem:$0x118A0] =	vst v63  }
0x1ac: {  	s21 =	simm.s32 @!p2 $0x1;
	s28 =	simm.s32 $0x50A0  }
0x1ad: {  	[tilespmem:s28], [sflag:$0x1] =	stream.indirect_vreg.gather [hbm4b:s11+s4], $0x80, v10, vm9, $0xb8;
	[tilespmem:$0x118A0] =	vst v63  }
0x1ae: {  	_ =	swait.ge @!p2 [sflag:s21], $0x4000  }
0x1af: {  	s22 =	simm.s32 @!p2 $0x0;
	[sflag:s21] =	ssyncset.done @!p2 $0x0  }
0x1b0: {  	s23 =	simm.s32 @!p2 $0x18A0;
	[sflag:s21] =	ssyncadd.s32 @!p2 $0xFFFFC000;
	s21 =	sadd.s32 @!p2 s16, s14  }
0x1b1: {  	[hbm4b:s21+s22] =	stream.linear.scatter @!p2 [tilespmem:s23], [sflag:$0x5], $0x4000, $0x38;
	[tilespmem:$0x118A0] =	vst v63  }
0x1b2: {  	v10 =	vld @p2 [tilespmem:s18+$0x0];
	_ =	sdelay $0x4  }
0x1b3: {  	v11 =	vshll.u32 @p2 v10, $0x3  }
0x1b4: {  	v12 =	vlaneseq.u32 @p2;
	v10 =	vand.u32 @p2 $0x7, v10;
	v11 =	vand.u32 @p2 $0xFFFFFFC0, v11  }
0x1b5: {  	v13 =	vshrl.u32 @p2 v12, $0x3;
	v10 =	vor.u32 @p2 v10, v11;
	v11 =	vand.u32 @p2 $0x7, v12  }
0x1b6: {  	v13 =	vmul.u32 @p2 $0x8, v13;
	v11 =	vperm.xlane @p2 v10, v11;
	_ =	sdelay $0x1  }
0x1b7: {  	v11 =	vadd.s32 @p2 v13, v11;
	_ =	sdelay $0x3  }
0x1b8: {  	vm10 =	vmmov @p2 $0xffff;
	s21 =	simm.s32 @p2 $0x0;
	s22 =	simm.s32 @p2 $0x58A0  }
0x1b9: {  	v12 =	vor.u32 @p2 $0x8, v12;
	[tilespmem:s22], [sflag:$0x2] =	stream.indirect_vreg.gather @p2 [hbm4b:s2+s21], $0x80, v11, vm10, $0xb8;
	[tilespmem:$0x118A0] =	vst v63  }
0x1ba: {  	s23 =	simm.s32 @p2 $0x60A0;
	v10 =	vperm.xlane @p2 v10, v12  }
0x1bb: {  	[tilespmem:s23], [sflag:$0x2] =	stream.indirect_vreg.gather @p2 [hbm4b:s9+s21], $0x80, v11, vm10, $0xb8;
	[tilespmem:$0x118A0] =	vst v63  }
0x1bc: {  	v10 =	vadd.s32 @p2 v13, v10;
	s23 =	simm.s32 @p2 $0x68A0  }
0x1bd: {  	[tilespmem:s23], [sflag:$0x2] =	stream.indirect_vreg.gather @p2 [hbm4b:s10+s21], $0x80, v11, vm10, $0xb8;
	[tilespmem:$0x118A0] =	vst v63  }
0x1be: {  	s23 =	simm.s32 @p2 $0x70A0  }
0x1bf: {  	[tilespmem:s23], [sflag:$0x2] =	stream.indirect_vreg.gather @p2 [hbm4b:s11+s21], $0x80, v11, vm10, $0xb8;
	[tilespmem:$0x118A0] =	vst v63  }
0x1c0: {  	s23 =	simm.s32 @p2 $0x78A0  }
0x1c1: {  	[tilespmem:s23], [sflag:$0x2] =	stream.indirect_vreg.gather @p2 [hbm4b:s2+s21], $0x80, v10, vm10, $0xb8;
	[tilespmem:$0x118A0] =	vst v63  }
0x1c2: {  	s23 =	simm.s32 @p2 $0x80A0  }
0x1c3: {  	[tilespmem:s23], [sflag:$0x2] =	stream.indirect_vreg.gather @p2 [hbm4b:s9+s21], $0x80, v10, vm10, $0xb8;
	[tilespmem:$0x118A0] =	vst v63  }
0x1c4: {  	s23 =	simm.s32 @p2 $0x88A0  }
0x1c5: {  	[tilespmem:s23], [sflag:$0x2] =	stream.indirect_vreg.gather @p2 [hbm4b:s10+s21], $0x80, v10, vm10, $0xb8;
	[tilespmem:$0x118A0] =	vst v63  }
0x1c6: {  	s23 =	simm.s32 @p2 $0x90A0  }
0x1c7: {  	[tilespmem:s23], [sflag:$0x2] =	stream.indirect_vreg.gather @p2 [hbm4b:s11+s21], $0x80, v10, vm10, $0xb8;
	[tilespmem:$0x118A0] =	vst v63  }
0x1c8: {  	s23 =	simm.s32 @p2 $0x1  }
0x1c9: {  	_ =	swait.ge @p2 [sflag:s23], $0x4000  }
0x1ca: {  	[sflag:s23] =	ssyncset.done @p2 $0x0  }
0x1cb: {  	[sflag:s23] =	ssyncadd.s32 @p2 $0xFFFFC000;
	s23 =	simm.s32 @p2 $0x2  }
0x1cc: {  	_ =	swait.ge @p2 [sflag:s23], $0x4000  }
0x1cd: {  	[sflag:s23] =	ssyncset.done @p2 $0x0  }
0x1ce: {  	s24 =	simm.s32 @p2 $0x18A0;
	[sflag:s23] =	ssyncadd.s32 @p2 $0xFFFFC000;
	s23 =	sadd.s32 @p2 s16, s14  }
0x1cf: {  	[hbm4b:s23+s21] =	stream.linear.scatter @p2 [tilespmem:s24], [sflag:$0x5], $0x4000, $0x38;
	[tilespmem:$0x118A0] =	vst v63  }
.Ltmp9:
0x1d0: {  	s23 =	sadd.s32 @p2 $0x100000, s23;
	s24 =	sld [smem:s13+$0x21];
	(pc) =	sbr.rel @p0 .LBB2_14-.Ltmp9, $4  }
0x1d1: {  	[hbm4b:s23+s21] =	stream.linear.scatter @p2 [tilespmem:s22], [sflag:$0x6], $0x4000, $0x38;
	[tilespmem:$0x118A0] =	vst v63  }
0x1d2: {  	s23 =	sld [smem:s13+$0x1]  }
0x1d3: {  	s21 =	sld [smem:s5+$0x1]  }
0x1d4: {  	s22 =	sld [smem:s5+$0x21]  }
0x1d5: {  	s25 =	sld [smem:s13+$0xFFFFFFFF]  }
0x1d6: {  	s26 =	sld [smem:s13+$0x1F]  }
0x1d7: {  	s28 =	sld [smem:s5+$0xFFFFFFFF]  }
0x1d8: {  	p0 =	sne.s32 s25, $0x1;
	s25 =	sld [smem:s5+$0x1F]  }
0x1d9: {  	p2 =	sne.s32 @!p0 s26, $0x1  }
0x1da: {  	p0 =	por p0, p2  }
0x1db: {  	p2 =	seq.s32 @!p0 s28, s25  }
0x1dc: {  	p0 =	por p0, !p2  }
0x1dd: {  	s25 =	simm.s32 @p0 $0x7  }
0x1de: {  	_ =	swait.ge @p0 [sflag:s25], $0x4000  }
.Ltmp10:
0x1df: {  	[sflag:s25] =	ssyncset.done @p0 $0x0;
	(pc) =	sbr.rel .LBB2_14-.Ltmp10, $4  }
0x1e0: {  	[sflag:s25] =	ssyncadd.s32 @p0 $0xFFFFC000  }
0x1e1: {  	_ =	swait.ge [sflag:s12], $0x4000  }
0x1e2: {  	[sflag:s12] =	ssyncset.done $0x0  }
0x1e3: {  	[sflag:s12] =	ssyncadd.s32 $0xFFFFC000  }
.LBB2_16:
0x1e4: {  	_ =	sfence.sel $0x180000  }
0x1e5: {  	[bflag:$0x0] =	sbarrier.arrive $0xFFFF  }
0x1e6: {  	_ =	strace $0x90000047  }
0x1e7: {  	s0 =	stileid.u32;
	[bflag:$0x2] =	sbarrier.arrive $0xFFFF  }
0x1e8: {  	p0 =	sne.s32 s0, $0x0;
	s0 =	rddreg [dreg:$0x4]  }
0x1e9: {  	s0 =	sadd.s32 @!p0 $0x100000, s0  }
0x1ea: {  	[sflag:s0] =	ssyncadd.tile.s32 @!p0 $0x1;
	_ =	shalt  }
.Lfunc_end2:
_tile_overlayer_lowered:
.L_overlay_start_2:
0x1eb: {  	(tag) =	ssettag $0x2  }
0x1ec: {  	s0 =	rddreg [dreg:$0x0];
	s2 =	stileid.u32  }
0x1ed: {  	s1 =	rddreg [dreg:$0x1];
	p0 =	sne.s32 s2, $0x0  }
0x1ee: {  	s3 =	rddreg [dreg:$0x2];
	[bflag:$0x3] =	sbarrier.arrive $0xFFFF;
	s2 =	simm.s32 @!p0 $0x1C09  }
0x1ef: {  	[timem:s3], [sflag:s2] =	dma.local @!p0 [hbm:s0], s1  }
0x1f0: {  	s0 =	simm.s32 @!p0 $0x9  }
0x1f1: {  	_ =	swait.ge @!p0 [sflag:s0], s1  }
0x1f2: {  	s1 =	ssub.s32 @!p0 $0x0, s1;
	[sflag:s0] =	ssyncset.done @!p0 $0x0  }
0x1f3: {  	[sflag:s0] =	ssyncadd.s32 @!p0 s1  }
0x1f4: {  	[bflag:$0x3] =	sbarrier.arrive $0xFFFF  }
0x1f5: {  	_ =	shalt  }

</sc_bundles>
